<compile_context>
chip_gen: v7x
topology: tpu7x:2x2x1
jax: 0.10.2.dev20260603
libtpu: 0.0.44.dev20260713+nightly
codegen_flags: <defaults>
</compile_context>

<pallas_src>
import functools

import jax
import jax.numpy as jnp
from jax import lax
from jax.experimental import pallas as pl
from jax.experimental.pallas import tpu as pltpu
from jax.experimental.pallas import tpu_sc as plsc

B, C, H, W = 4, 19, 512, 512
NB = 1024
HIST = 2 * C * NB
P = B * H * W
TOT2 = (C * P) // 2
NW = 32
PER_W = TOT2 // NW
CH = 8192
NCH = PER_W // CH
U = 8
RB = 64

GROUP_ROWS = C * RB // 2
OUT_ROWS = GROUP_ROWS * (W // 128)


def _bucket_body(pred_ref, label_ref, out_ref):
    x = pred_ref[0]
    lab = label_ref[0]
    m = jnp.max(x, axis=0)
    ex = jnp.exp(x - m[None])
    rcp = 1.0 / jnp.sum(ex, axis=0)
    p = ex * rcp[None]
    cidx = lax.broadcasted_iota(jnp.int32, x.shape, 0)
    fg = lab[None] == cidx
    e = jnp.where(fg, 1.0 - p, p)
    b = jnp.minimum((e * NB).astype(jnp.int32), NB - 1)
    idx = jnp.where(fg, C * NB, 0) + cidx * NB + b
    lo = idx[:, : RB // 2, :]
    hi = idx[:, RB // 2 :, :]
    packed = lo | (hi << 16)
    for t in range(W // 128):
        part = packed[:, :, t * 128 : (t + 1) * 128]
        out_ref[pl.ds(t * GROUP_ROWS, GROUP_ROWS), :] = part.reshape(
            GROUP_ROWS, 128
        )


_bucket_call = pl.pallas_call(
    _bucket_body,
    grid=(B, H // RB),
    in_specs=[
        pl.BlockSpec((1, C, RB, W), lambda i, j: (i, 0, j, 0)),
        pl.BlockSpec((1, RB, W), lambda i, j: (i, j, 0)),
    ],
    out_specs=pl.BlockSpec(
        (OUT_ROWS, 128), lambda i, j: (i * (H // RB) + j, 0)
    ),
    out_shape=jax.ShapeDtypeStruct((TOT2 // 128, 128), jnp.int32),
)

@functools.cache
def _make_hist_call():
    mesh = plsc.VectorSubcoreMesh(
        core_axis_name="c", subcore_axis_name="s", num_cores=2, num_subcores=16
    )
    return functools.partial(
        pl.kernel,
        out_type=jax.ShapeDtypeStruct((NW, HIST), jnp.int32),
        mesh=mesh,
        scratch_types=[
            pltpu.VMEM((2 * CH,), jnp.int32),
            pltpu.VMEM((HIST,), jnp.int32),
            pltpu.SemaphoreType.DMA,
            pltpu.SemaphoreType.DMA,
        ],
        compiler_params=pltpu.CompilerParams(needs_layout_passes=False),
    )(_hist_body)


def _hist_body(idx_hbm, out_hbm, stage, hist, sem0, sem1):
    wid = lax.axis_index("s") * 2 + lax.axis_index("c")
    base = wid * PER_W

    zeros = jnp.zeros((16,), jnp.int32)

    def zero_body(i, _):
        hist[pl.ds(i * 16, 16)] = zeros
        return 0

    lax.fori_loop(0, HIST // 16, zero_body, 0)

    ones = jnp.ones((16,), jnp.int32)

    def start(g, buf, sem):
        pltpu.async_copy(idx_hbm.at[pl.ds(base + g * CH, CH)], buf, sem)

    def wait(buf, sem):
        pltpu.make_async_copy(idx_hbm.at[pl.ds(base, CH)], buf, sem).wait()

    def process(buf):
        def batch_body(i, _):
            vs = [buf[pl.ds((i * U + j) * 16, 16)] for j in range(U)]
            xs = [v & 0xFFFF for v in vs]
            xs += [lax.shift_right_logical(v, 16) for v in vs]
            for x in xs:
                plsc.addupdate_scatter(hist, [x], ones)
            return 0

        lax.fori_loop(0, CH // (16 * U), batch_body, 0)

    b0 = stage.at[pl.ds(0, CH)]
    b1 = stage.at[pl.ds(CH, CH)]
    start(0, b0, sem0)

    def pair_body(gp, _):
        g0 = gp * 2
        start(g0 + 1, b1, sem1)
        wait(b0, sem0)
        process(b0)

        @pl.when(g0 + 2 < NCH)
        def _():
            start(g0 + 2, b0, sem0)

        wait(b1, sem1)
        process(b1)
        return 0

    lax.fori_loop(0, NCH // 2, pair_body, 0)
    pltpu.sync_copy(hist, out_hbm.at[wid])


def _finish_body(parts_ref, tri_ref, out_ref):
    h = jnp.sum(parts_ref[...], axis=0).astype(jnp.float32)
    n0 = h[0]
    s = h[1]
    n = n0 + s
    tri = tri_ref[...]
    n_incl = jnp.dot(n, tri, preferred_element_type=jnp.float32)
    s_incl = jnp.dot(s, tri, preferred_element_type=jnp.float32)
    total_fg = s_incl[:, 0:1]

    def jac(n_c, s_c):
        u = total_fg + n_c - s_c
        u_safe = jnp.where(u > 0, u, 1.0)
        return jnp.where(u > 0, 1.0 - (total_fg - s_c) / u_safe, 0.0)

    j_incl = jac(n_incl, s_incl)
    j_excl = jac(n_incl - n, s_incl - s)
    mid = (lax.broadcasted_iota(jnp.int32, (C, NB), 1).astype(jnp.float32)
           + 0.5) / NB
    losses = jnp.sum(mid * (j_incl - j_excl), axis=1, keepdims=True)
    pres = (total_fg > 0).astype(jnp.float32)
    num = jnp.sum(losses * pres)
    den = jnp.maximum(jnp.sum(pres), 1.0)
    out_ref[...] = jnp.broadcast_to(num / den, (1, 1))


_finish_call = pl.pallas_call(
    _finish_body,
    in_specs=[
        pl.BlockSpec((NW, 2, C, NB), lambda: (0, 0, 0, 0)),
        pl.BlockSpec((NB, NB), lambda: (0, 0)),
    ],
    out_specs=pl.BlockSpec((1, 1), lambda: (0, 0)),
    out_shape=jax.ShapeDtypeStruct((1, 1), jnp.float32),
)


def kernel(pred, label):
    idx_packed = _bucket_call(pred, label.astype(jnp.int32))
    parts = _make_hist_call()(idx_packed.reshape(TOT2))
    tri = (
        lax.broadcasted_iota(jnp.int32, (NB, NB), 0)
        >= lax.broadcasted_iota(jnp.int32, (NB, NB), 1)
    ).astype(jnp.float32)
    out = _finish_call(parts.reshape(NW, 2, C, NB), tri)
    return out.reshape(())

# --- scband reference (transcript-rebuilt; emitter-appended) ---
"""Pipeline reference for scband-lovasz-softmax-61718680043721 (READ-ONLY COPY).

The authoritative reference and input builder live on the scoring server;
editing this copy changes nothing except your own understanding.
"""

import jax, jax.numpy as jnp
import numpy as np

B, C, H, W = 4, 19, 512, 512


def setup_inputs(seed: int = 0) -> dict:
    key = jax.random.key(seed)
    k1, k2 = jax.random.split(key)
    pred = jax.random.normal(k1, (B, C, H, W), dtype=jnp.float32)
    label = jax.random.randint(k2, (B, H, W), 0, C, dtype=jnp.int64)
    return {"pred": pred, "label": label}


def lovasz_grad(gt_sorted):
    gts = jnp.sum(gt_sorted)
    intersection = gts - jnp.cumsum(gt_sorted, axis=0)
    union = gts + jnp.cumsum(1.0 - gt_sorted, axis=0)
    jaccard = 1.0 - intersection / union
    jaccard = jnp.concatenate([jaccard[:1], jaccard[1:] - jaccard[:-1]], axis=0)
    return jaccard


def lovasz_softmax_flat(probas, labels):
    # probas: [P, C] softmax probabilities, labels: [P] int
    C_ = probas.shape[1]
    losses = []
    present = []
    for c in range(C_):
        fg = (labels == c).astype(jnp.float32)
        class_pred = probas[:, c]
        errors = jnp.abs(fg - class_pred)
        perm = jnp.argsort(-errors)  # descending sort permutation
        errors_sorted = errors[perm]
        fg_sorted = fg[perm]
        losses.append(jnp.dot(errors_sorted, lovasz_grad(fg_sorted)))
        present.append((jnp.sum(fg) > 0).astype(jnp.float32))
    losses = jnp.stack(losses)
    present = jnp.stack(present)
    # classes='present': mean over classes that appear in the labels
    return jnp.sum(losses * present) / jnp.maximum(jnp.sum(present), 1.0)


def reference(pred, label):
    probas = jax.nn.softmax(pred, axis=1)
    b, c, h, w = probas.shape
    probas_flat = jnp.transpose(probas, (0, 2, 3, 1)).reshape(-1, c)
    labels_flat = label.reshape(-1)
    return lovasz_softmax_flat(probas_flat, labels_flat)

if __name__ == "__main__":
    import jax
    _d = setup_inputs()
    print(jax.jit(kernel)(*tuple(_d.values())))

</pallas_src>

<mosaic_0001>
#map = affine_map<(d0, d1) -> (0)>
#map1 = affine_map<(d0, d1) -> (0, 0)>
module attributes {stable_mosaic.version = 14 : i64} {
  func.func @_hist_body(%arg0: i32, %arg1: i32, %arg2: memref<9961472xi32, #tpu.memory_space<hbm>>, %arg3: memref<32x38912xi32, #tpu.memory_space<hbm>>, %arg4: memref<16384xi32, #tpu.memory_space<vmem>>, %arg5: memref<38912xi32, #tpu.memory_space<vmem>>, %arg6: memref<!tpu.dma_semaphore, #tpu.memory_space<semaphore_mem>>, %arg7: memref<!tpu.dma_semaphore, #tpu.memory_space<semaphore_mem>>) attributes {dimension_semantics = [#tpu.dimension_semantics<core_parallel>, #tpu.dimension_semantics<subcore_parallel>], iteration_bounds = array<i64: 2, 16>, scalar_prefetch = 0 : i64, scratch_operands = 4 : i64, tpu.core_type = #tpu.core_type<sc_vector_subcore>, window_params = [{transform_indices = #map}, {transform_indices = #map1}]} {
    %mul3A = arith.constant 2 : i32
    %mul3A_0 = arith.muli %arg1, %mul3A : i32
    %add3A = arith.addi %mul3A_0, %arg0 : i32
    %mul3A_1 = arith.constant 311296 : i32
    %mul3A_2 = arith.muli %add3A, %mul3A_1 : i32
    %broadcast_in_dim3A = arith.constant 0 : i32
    %broadcast_in_dim3A_3 = vector.broadcast %broadcast_in_dim3A : i32 to vector<16xi32>
    %scan3A = arith.constant 0 : i32
    %scan3A_4 = arith.constant 0 : i32
    %scan3A_5 = arith.constant 2432 : i32
    %scan3A_6 = arith.addi %scan3A_4, %scan3A_5 : i32
    %scan3A_7 = arith.constant 1 : i32
    %scan3A_8 = scf.for %scan3A_26 = %scan3A_4 to %scan3A_6 step %scan3A_7 iter_args(%scan3A_27 = %scan3A) -> (i32)  : i32 {
      %mul3A_28 = arith.constant 16 : i32
      %mul3A_29 = arith.muli %scan3A_26, %mul3A_28 : i32
      %swap3A = arith.index_cast %mul3A_29 : i32 to index
      %swap3A_30 = tpu.vector_load %arg5[%swap3A] {strides = array<i32>} : memref<38912xi32, #tpu.memory_space<vmem>>, vector<16xi32>,
      tpu.vector_store %arg5[%swap3A], %broadcast_in_dim3A_3 {strides = array<i32>} : memref<38912xi32, #tpu.memory_space<vmem>>, vector<16xi32>,
      %scan3A_31 = arith.constant 0 : i32
      scf.yield %scan3A_31 : i32
    }
    %scan3A_9 = arith.constant 2432 : i32
    %broadcast_in_dim3A_10 = arith.constant 1 : i32
    %broadcast_in_dim3A_11 = vector.broadcast %broadcast_in_dim3A_10 : i32 to vector<16xi32>
    %add3A_12 = arith.constant 0 : i32
    %add3A_13 = arith.addi %mul3A_2, %add3A_12 : i32
    %dma_start3A = arith.constant 0 : i32
    %dma_start3A_14 = tpu.memref_slice %arg4[%dma_start3A] : memref<16384xi32, #tpu.memory_space<vmem>> -> memref<8192xi32, #tpu.memory_space<vmem>>
    %dma_start3A_15 = tpu.memref_slice %arg2[%add3A_13] : memref<9961472xi32, #tpu.memory_space<hbm>> -> memref<8192xi32, #tpu.memory_space<hbm>>
    %dma_start3A_16 = arith.constant 0 : i32
    %dma_start3A_17 = tpu.memref_slice %arg4[%dma_start3A_16] : memref<16384xi32, #tpu.memory_space<vmem>> -> memref<8192xi32, #tpu.memory_space<vmem>>
    %dma_start3A_18 = tpu.memref_slice %arg2[%add3A_13] : memref<9961472xi32, #tpu.memory_space<hbm>> -> memref<8192xi32, #tpu.memory_space<hbm>>
    tpu.enqueue_dma source(%dma_start3A_18 : memref<8192xi32, #tpu.memory_space<hbm>>) target(%dma_start3A_17 : memref<8192xi32, #tpu.memory_space<vmem>>) target_semaphore(%arg6 : memref<!tpu.dma_semaphore, #tpu.memory_space<semaphore_mem>>)
    %scan3A_19 = arith.constant 0 : i32
    %scan3A_20 = arith.constant 0 : i32
    %scan3A_21 = arith.constant 19 : i32
    %scan3A_22 = arith.addi %scan3A_20, %scan3A_21 : i32
    %scan3A_23 = arith.constant 1 : i32
    %scan3A_24 = scf.for %scan3A_26 = %scan3A_20 to %scan3A_22 step %scan3A_23 iter_args(%scan3A_27 = %scan3A_19) -> (i32)  : i32 {
      %mul3A_28 = arith.constant 2 : i32
      %mul3A_29 = arith.muli %scan3A_26, %mul3A_28 : i32
      %add3A_30 = arith.constant 1 : i32
      %add3A_31 = arith.addi %mul3A_29, %add3A_30 : i32
      %mul3A_32 = arith.constant 8192 : i32
      %mul3A_33 = arith.muli %add3A_31, %mul3A_32 : i32
      %add3A_34 = arith.addi %mul3A_2, %mul3A_33 : i32
      %dma_start3A_35 = arith.constant 8192 : i32
      %dma_start3A_36 = tpu.memref_slice %arg4[%dma_start3A_35] : memref<16384xi32, #tpu.memory_space<vmem>> -> memref<8192xi32, #tpu.memory_space<vmem>>
      %dma_start3A_37 = tpu.memref_slice %arg2[%add3A_34] : memref<9961472xi32, #tpu.memory_space<hbm>> -> memref<8192xi32, #tpu.memory_space<hbm>>
      %dma_start3A_38 = arith.constant 8192 : i32
      %dma_start3A_39 = tpu.memref_slice %arg4[%dma_start3A_38] : memref<16384xi32, #tpu.memory_space<vmem>> -> memref<8192xi32, #tpu.memory_space<vmem>>
      %dma_start3A_40 = tpu.memref_slice %arg2[%add3A_34] : memref<9961472xi32, #tpu.memory_space<hbm>> -> memref<8192xi32, #tpu.memory_space<hbm>>
      tpu.enqueue_dma source(%dma_start3A_40 : memref<8192xi32, #tpu.memory_space<hbm>>) target(%dma_start3A_39 : memref<8192xi32, #tpu.memory_space<vmem>>) target_semaphore(%arg7 : memref<!tpu.dma_semaphore, #tpu.memory_space<semaphore_mem>>)
      %dma_wait3A = arith.constant 0 : i32
      %dma_wait3A_41 = tpu.memref_slice %arg4[%dma_wait3A] : memref<16384xi32, #tpu.memory_space<vmem>> -> memref<8192xi32, #tpu.memory_space<vmem>>
      %dma_wait3A_42 = tpu.memref_slice %arg2[%mul3A_2] : memref<9961472xi32, #tpu.memory_space<hbm>> -> memref<8192xi32, #tpu.memory_space<hbm>>
      %dma_wait3A_43 = arith.constant 0 : i32
      %dma_wait3A_44 = tpu.memref_slice %arg4[%dma_wait3A_43] : memref<16384xi32, #tpu.memory_space<vmem>> -> memref<8192xi32, #tpu.memory_space<vmem>>
      %dma_wait3A_45 = tpu.memref_slice %arg2[%mul3A_2] : memref<9961472xi32, #tpu.memory_space<hbm>> -> memref<8192xi32, #tpu.memory_space<hbm>>
      tpu.wait_dma2 semaphore(%arg6 : memref<!tpu.dma_semaphore, #tpu.memory_space<semaphore_mem>>) src(%dma_wait3A_45 : memref<8192xi32, #tpu.memory_space<hbm>>) dst(%dma_wait3A_44 : memref<8192xi32, #tpu.memory_space<vmem>>)
      %scan3A_46 = arith.constant 0 : i32
      %scan3A_47 = arith.constant 0 : i32
      %scan3A_48 = arith.constant 64 : i32
      %scan3A_49 = arith.addi %scan3A_47, %scan3A_48 : i32
      %scan3A_50 = arith.constant 1 : i32
      %scan3A_51 = scf.for %scan3A_71 = %scan3A_47 to %scan3A_49 step %scan3A_50 iter_args(%scan3A_72 = %scan3A_46) -> (i32)  : i32 {
        %mul3A_73 = arith.constant 8 : i32
        %mul3A_74 = arith.muli %scan3A_71, %mul3A_73 : i32
        %add3A_75 = arith.constant 0 : i32
        %add3A_76 = arith.addi %mul3A_74, %add3A_75 : i32
        %mul3A_77 = arith.constant 16 : i32
        %mul3A_78 = arith.muli %add3A_76, %mul3A_77 : i32
        %get3A = arith.constant 0 : i32
        %get3A_79 = tpu.memref_slice %arg4[%get3A] : memref<16384xi32, #tpu.memory_space<vmem>> -> memref<8192xi32, #tpu.memory_space<vmem>>
        %get3A_80 = arith.index_cast %mul3A_78 : i32 to index
        %get3A_81 = tpu.vector_load %get3A_79[%get3A_80] {strides = array<i32>} : memref<8192xi32, #tpu.memory_space<vmem>>, vector<16xi32>,
        %mul3A_82 = arith.constant 8 : i32
        %mul3A_83 = arith.muli %scan3A_71, %mul3A_82 : i32
        %add3A_84 = arith.constant 1 : i32
        %add3A_85 = arith.addi %mul3A_83, %add3A_84 : i32
        %mul3A_86 = arith.constant 16 : i32
        %mul3A_87 = arith.muli %add3A_85, %mul3A_86 : i32
        %get3A_88 = arith.constant 0 : i32
        %get3A_89 = tpu.memref_slice %arg4[%get3A_88] : memref<16384xi32, #tpu.memory_space<vmem>> -> memref<8192xi32, #tpu.memory_space<vmem>>
        %get3A_90 = arith.index_cast %mul3A_87 : i32 to index
        %get3A_91 = tpu.vector_load %get3A_89[%get3A_90] {strides = array<i32>} : memref<8192xi32, #tpu.memory_space<vmem>>, vector<16xi32>,
        %mul3A_92 = arith.constant 8 : i32
        %mul3A_93 = arith.muli %scan3A_71, %mul3A_92 : i32
        %add3A_94 = arith.constant 2 : i32
        %add3A_95 = arith.addi %mul3A_93, %add3A_94 : i32
        %mul3A_96 = arith.constant 16 : i32
        %mul3A_97 = arith.muli %add3A_95, %mul3A_96 : i32
        %get3A_98 = arith.constant 0 : i32
        %get3A_99 = tpu.memref_slice %arg4[%get3A_98] : memref<16384xi32, #tpu.memory_space<vmem>> -> memref<8192xi32, #tpu.memory_space<vmem>>
        %get3A_100 = arith.index_cast %mul3A_97 : i32 to index
        %get3A_101 = tpu.vector_load %get3A_99[%get3A_100] {strides = array<i32>} : memref<8192xi32, #tpu.memory_space<vmem>>, vector<16xi32>,
        %mul3A_102 = arith.constant 8 : i32
        %mul3A_103 = arith.muli %scan3A_71, %mul3A_102 : i32
        %add3A_104 = arith.constant 3 : i32
        %add3A_105 = arith.addi %mul3A_103, %add3A_104 : i32
        %mul3A_106 = arith.constant 16 : i32
        %mul3A_107 = arith.muli %add3A_105, %mul3A_106 : i32
        %get3A_108 = arith.constant 0 : i32
        %get3A_109 = tpu.memref_slice %arg4[%get3A_108] : memref<16384xi32, #tpu.memory_space<vmem>> -> memref<8192xi32, #tpu.memory_space<vmem>>
        %get3A_110 = arith.index_cast %mul3A_107 : i32 to index
        %get3A_111 = tpu.vector_load %get3A_109[%get3A_110] {strides = array<i32>} : memref<8192xi32, #tpu.memory_space<vmem>>, vector<16xi32>,
        %mul3A_112 = arith.constant 8 : i32
        %mul3A_113 = arith.muli %scan3A_71, %mul3A_112 : i32
        %add3A_114 = arith.constant 4 : i32
        %add3A_115 = arith.addi %mul3A_113, %add3A_114 : i32
        %mul3A_116 = arith.constant 16 : i32
        %mul3A_117 = arith.muli %add3A_115, %mul3A_116 : i32
        %get3A_118 = arith.constant 0 : i32
        %get3A_119 = tpu.memref_slice %arg4[%get3A_118] : memref<16384xi32, #tpu.memory_space<vmem>> -> memref<8192xi32, #tpu.memory_space<vmem>>
        %get3A_120 = arith.index_cast %mul3A_117 : i32 to index
        %get3A_121 = tpu.vector_load %get3A_119[%get3A_120] {strides = array<i32>} : memref<8192xi32, #tpu.memory_space<vmem>>, vector<16xi32>,
        %mul3A_122 = arith.constant 8 : i32
        %mul3A_123 = arith.muli %scan3A_71, %mul3A_122 : i32
        %add3A_124 = arith.constant 5 : i32
        %add3A_125 = arith.addi %mul3A_123, %add3A_124 : i32
        %mul3A_126 = arith.constant 16 : i32
        %mul3A_127 = arith.muli %add3A_125, %mul3A_126 : i32
        %get3A_128 = arith.constant 0 : i32
        %get3A_129 = tpu.memref_slice %arg4[%get3A_128] : memref<16384xi32, #tpu.memory_space<vmem>> -> memref<8192xi32, #tpu.memory_space<vmem>>
        %get3A_130 = arith.index_cast %mul3A_127 : i32 to index
        %get3A_131 = tpu.vector_load %get3A_129[%get3A_130] {strides = array<i32>} : memref<8192xi32, #tpu.memory_space<vmem>>, vector<16xi32>,
        %mul3A_132 = arith.constant 8 : i32
        %mul3A_133 = arith.muli %scan3A_71, %mul3A_132 : i32
        %add3A_134 = arith.constant 6 : i32
        %add3A_135 = arith.addi %mul3A_133, %add3A_134 : i32
        %mul3A_136 = arith.constant 16 : i32
        %mul3A_137 = arith.muli %add3A_135, %mul3A_136 : i32
        %get3A_138 = arith.constant 0 : i32
        %get3A_139 = tpu.memref_slice %arg4[%get3A_138] : memref<16384xi32, #tpu.memory_space<vmem>> -> memref<8192xi32, #tpu.memory_space<vmem>>
        %get3A_140 = arith.index_cast %mul3A_137 : i32 to index
        %get3A_141 = tpu.vector_load %get3A_139[%get3A_140] {strides = array<i32>} : memref<8192xi32, #tpu.memory_space<vmem>>, vector<16xi32>,
        %mul3A_142 = arith.constant 8 : i32
        %mul3A_143 = arith.muli %scan3A_71, %mul3A_142 : i32
        %add3A_144 = arith.constant 7 : i32
        %add3A_145 = arith.addi %mul3A_143, %add3A_144 : i32
        %mul3A_146 = arith.constant 16 : i32
        %mul3A_147 = arith.muli %add3A_145, %mul3A_146 : i32
        %get3A_148 = arith.constant 0 : i32
        %get3A_149 = tpu.memref_slice %arg4[%get3A_148] : memref<16384xi32, #tpu.memory_space<vmem>> -> memref<8192xi32, #tpu.memory_space<vmem>>
        %get3A_150 = arith.index_cast %mul3A_147 : i32 to index
        %get3A_151 = tpu.vector_load %get3A_149[%get3A_150] {strides = array<i32>} : memref<8192xi32, #tpu.memory_space<vmem>>, vector<16xi32>,
        %and3A = arith.constant 65535 : i32
        %and3A_152 = vector.broadcast %and3A : i32 to vector<16xi32>
        %and3A_153 = arith.andi %get3A_81, %and3A_152 : vector<16xi32>
        %and3A_154 = arith.constant 65535 : i32
        %and3A_155 = vector.broadcast %and3A_154 : i32 to vector<16xi32>
        %and3A_156 = arith.andi %get3A_91, %and3A_155 : vector<16xi32>
        %and3A_157 = arith.constant 65535 : i32
        %and3A_158 = vector.broadcast %and3A_157 : i32 to vector<16xi32>
        %and3A_159 = arith.andi %get3A_101, %and3A_158 : vector<16xi32>
        %and3A_160 = arith.constant 65535 : i32
        %and3A_161 = vector.broadcast %and3A_160 : i32 to vector<16xi32>
        %and3A_162 = arith.andi %get3A_111, %and3A_161 : vector<16xi32>
        %and3A_163 = arith.constant 65535 : i32
        %and3A_164 = vector.broadcast %and3A_163 : i32 to vector<16xi32>
        %and3A_165 = arith.andi %get3A_121, %and3A_164 : vector<16xi32>
        %and3A_166 = arith.constant 65535 : i32
        %and3A_167 = vector.broadcast %and3A_166 : i32 to vector<16xi32>
        %and3A_168 = arith.andi %get3A_131, %and3A_167 : vector<16xi32>
        %and3A_169 = arith.constant 65535 : i32
        %and3A_170 = vector.broadcast %and3A_169 : i32 to vector<16xi32>
        %and3A_171 = arith.andi %get3A_141, %and3A_170 : vector<16xi32>
        %and3A_172 = arith.constant 65535 : i32
        %and3A_173 = vector.broadcast %and3A_172 : i32 to vector<16xi32>
        %and3A_174 = arith.andi %get3A_151, %and3A_173 : vector<16xi32>
        %shift_right_logical3A = arith.constant 16 : i32
        %shift_right_logical3A_175 = vector.broadcast %shift_right_logical3A : i32 to vector<16xi32>
        %shift_right_logical3A_176 = arith.shrui %get3A_81, %shift_right_logical3A_175 : vector<16xi32>
        %shift_right_logical3A_177 = arith.constant 16 : i32
        %shift_right_logical3A_178 = vector.broadcast %shift_right_logical3A_177 : i32 to vector<16xi32>
        %shift_right_logical3A_179 = arith.shrui %get3A_91, %shift_right_logical3A_178 : vector<16xi32>
        %shift_right_logical3A_180 = arith.constant 16 : i32
        %shift_right_logical3A_181 = vector.broadcast %shift_right_logical3A_180 : i32 to vector<16xi32>
        %shift_right_logical3A_182 = arith.shrui %get3A_101, %shift_right_logical3A_181 : vector<16xi32>
        %shift_right_logical3A_183 = arith.constant 16 : i32
        %shift_right_logical3A_184 = vector.broadcast %shift_right_logical3A_183 : i32 to vector<16xi32>
        %shift_right_logical3A_185 = arith.shrui %get3A_111, %shift_right_logical3A_184 : vector<16xi32>
        %shift_right_logical3A_186 = arith.constant 16 : i32
        %shift_right_logical3A_187 = vector.broadcast %shift_right_logical3A_186 : i32 to vector<16xi32>
        %shift_right_logical3A_188 = arith.shrui %get3A_121, %shift_right_logical3A_187 : vector<16xi32>
        %shift_right_logical3A_189 = arith.constant 16 : i32
        %shift_right_logical3A_190 = vector.broadcast %shift_right_logical3A_189 : i32 to vector<16xi32>
        %shift_right_logical3A_191 = arith.shrui %get3A_131, %shift_right_logical3A_190 : vector<16xi32>
        %shift_right_logical3A_192 = arith.constant 16 : i32
        %shift_right_logical3A_193 = vector.broadcast %shift_right_logical3A_192 : i32 to vector<16xi32>
        %shift_right_logical3A_194 = arith.shrui %get3A_141, %shift_right_logical3A_193 : vector<16xi32>
        %shift_right_logical3A_195 = arith.constant 16 : i32
        %shift_right_logical3A_196 = vector.broadcast %shift_right_logical3A_195 : i32 to vector<16xi32>
        %shift_right_logical3A_197 = arith.shrui %get3A_151, %shift_right_logical3A_196 : vector<16xi32>
        tpu.vector_store_idx %arg5[%and3A_153], %broadcast_in_dim3A_11 {add = true} : memref<38912xi32, #tpu.memory_space<vmem>>[vector<16xi32>], vector<16xi32>,
        tpu.vector_store_idx %arg5[%and3A_156], %broadcast_in_dim3A_11 {add = true} : memref<38912xi32, #tpu.memory_space<vmem>>[vector<16xi32>], vector<16xi32>,
        tpu.vector_store_idx %arg5[%and3A_159], %broadcast_in_dim3A_11 {add = true} : memref<38912xi32, #tpu.memory_space<vmem>>[vector<16xi32>], vector<16xi32>,
        tpu.vector_store_idx %arg5[%and3A_162], %broadcast_in_dim3A_11 {add = true} : memref<38912xi32, #tpu.memory_space<vmem>>[vector<16xi32>], vector<16xi32>,
        tpu.vector_store_idx %arg5[%and3A_165], %broadcast_in_dim3A_11 {add = true} : memref<38912xi32, #tpu.memory_space<vmem>>[vector<16xi32>], vector<16xi32>,
        tpu.vector_store_idx %arg5[%and3A_168], %broadcast_in_dim3A_11 {add = true} : memref<38912xi32, #tpu.memory_space<vmem>>[vector<16xi32>], vector<16xi32>,
        tpu.vector_store_idx %arg5[%and3A_171], %broadcast_in_dim3A_11 {add = true} : memref<38912xi32, #tpu.memory_space<vmem>>[vector<16xi32>], vector<16xi32>,
        tpu.vector_store_idx %arg5[%and3A_174], %broadcast_in_dim3A_11 {add = true} : memref<38912xi32, #tpu.memory_space<vmem>>[vector<16xi32>], vector<16xi32>,
        tpu.vector_store_idx %arg5[%shift_right_logical3A_176], %broadcast_in_dim3A_11 {add = true} : memref<38912xi32, #tpu.memory_space<vmem>>[vector<16xi32>], vector<16xi32>,
        tpu.vector_store_idx %arg5[%shift_right_logical3A_179], %broadcast_in_dim3A_11 {add = true} : memref<38912xi32, #tpu.memory_space<vmem>>[vector<16xi32>], vector<16xi32>,
        tpu.vector_store_idx %arg5[%shift_right_logical3A_182], %broadcast_in_dim3A_11 {add = true} : memref<38912xi32, #tpu.memory_space<vmem>>[vector<16xi32>], vector<16xi32>,
        tpu.vector_store_idx %arg5[%shift_right_logical3A_185], %broadcast_in_dim3A_11 {add = true} : memref<38912xi32, #tpu.memory_space<vmem>>[vector<16xi32>], vector<16xi32>,
        tpu.vector_store_idx %arg5[%shift_right_logical3A_188], %broadcast_in_dim3A_11 {add = true} : memref<38912xi32, #tpu.memory_space<vmem>>[vector<16xi32>], vector<16xi32>,
        tpu.vector_store_idx %arg5[%shift_right_logical3A_191], %broadcast_in_dim3A_11 {add = true} : memref<38912xi32, #tpu.memory_space<vmem>>[vector<16xi32>], vector<16xi32>,
        tpu.vector_store_idx %arg5[%shift_right_logical3A_194], %broadcast_in_dim3A_11 {add = true} : memref<38912xi32, #tpu.memory_space<vmem>>[vector<16xi32>], vector<16xi32>,
        tpu.vector_store_idx %arg5[%shift_right_logical3A_197], %broadcast_in_dim3A_11 {add = true} : memref<38912xi32, #tpu.memory_space<vmem>>[vector<16xi32>], vector<16xi32>,
        %scan3A_198 = arith.constant 0 : i32
        scf.yield %scan3A_198 : i32
      }
      %scan3A_52 = arith.constant 64 : i32
      %add3A_53 = arith.constant 2 : i32
      %add3A_54 = arith.addi %mul3A_29, %add3A_53 : i32
      %lt3A = arith.constant 38 : i32
      %lt3A_55 = arith.cmpi slt, %add3A_54, %lt3A : i32
      %convert_element_type3A = arith.extui %lt3A_55 : i1 to i32
      %cond3A = arith.constant 0 : i32
      %cond3A_56 = arith.cmpi ne, %convert_element_type3A, %cond3A : i32
      scf.if %cond3A_56 {
        %add3A_71 = arith.constant 2 : i32
        %add3A_72 = arith.addi %mul3A_29, %add3A_71 : i32
        %mul3A_73 = arith.constant 8192 : i32
        %mul3A_74 = arith.muli %add3A_72, %mul3A_73 : i32
        %add3A_75 = arith.addi %mul3A_2, %mul3A_74 : i32
        %dma_start3A_76 = arith.constant 0 : i32
        %dma_start3A_77 = tpu.memref_slice %arg4[%dma_start3A_76] : memref<16384xi32, #tpu.memory_space<vmem>> -> memref<8192xi32, #tpu.memory_space<vmem>>
        %dma_start3A_78 = tpu.memref_slice %arg2[%add3A_75] : memref<9961472xi32, #tpu.memory_space<hbm>> -> memref<8192xi32, #tpu.memory_space<hbm>>
        %dma_start3A_79 = arith.constant 0 : i32
        %dma_start3A_80 = tpu.memref_slice %arg4[%dma_start3A_79] : memref<16384xi32, #tpu.memory_space<vmem>> -> memref<8192xi32, #tpu.memory_space<vmem>>
        %dma_start3A_81 = tpu.memref_slice %arg2[%add3A_75] : memref<9961472xi32, #tpu.memory_space<hbm>> -> memref<8192xi32, #tpu.memory_space<hbm>>
        tpu.enqueue_dma source(%dma_start3A_81 : memref<8192xi32, #tpu.memory_space<hbm>>) target(%dma_start3A_80 : memref<8192xi32, #tpu.memory_space<vmem>>) target_semaphore(%arg6 : memref<!tpu.dma_semaphore, #tpu.memory_space<semaphore_mem>>)
      } else {
      }
      %dma_wait3A_57 = arith.constant 8192 : i32
      %dma_wait3A_58 = tpu.memref_slice %arg4[%dma_wait3A_57] : memref<16384xi32, #tpu.memory_space<vmem>> -> memref<8192xi32, #tpu.memory_space<vmem>>
      %dma_wait3A_59 = tpu.memref_slice %arg2[%mul3A_2] : memref<9961472xi32, #tpu.memory_space<hbm>> -> memref<8192xi32, #tpu.memory_space<hbm>>
      %dma_wait3A_60 = arith.constant 8192 : i32
      %dma_wait3A_61 = tpu.memref_slice %arg4[%dma_wait3A_60] : memref<16384xi32, #tpu.memory_space<vmem>> -> memref<8192xi32, #tpu.memory_space<vmem>>
      %dma_wait3A_62 = tpu.memref_slice %arg2[%mul3A_2] : memref<9961472xi32, #tpu.memory_space<hbm>> -> memref<8192xi32, #tpu.memory_space<hbm>>
      tpu.wait_dma2 semaphore(%arg7 : memref<!tpu.dma_semaphore, #tpu.memory_space<semaphore_mem>>) src(%dma_wait3A_62 : memref<8192xi32, #tpu.memory_space<hbm>>) dst(%dma_wait3A_61 : memref<8192xi32, #tpu.memory_space<vmem>>)
      %scan3A_63 = arith.constant 0 : i32
      %scan3A_64 = arith.constant 0 : i32
      %scan3A_65 = arith.constant 64 : i32
      %scan3A_66 = arith.addi %scan3A_64, %scan3A_65 : i32
      %scan3A_67 = arith.constant 1 : i32
      %scan3A_68 = scf.for %scan3A_71 = %scan3A_64 to %scan3A_66 step %scan3A_67 iter_args(%scan3A_72 = %scan3A_63) -> (i32)  : i32 {
        %mul3A_73 = arith.constant 8 : i32
        %mul3A_74 = arith.muli %scan3A_71, %mul3A_73 : i32
        %add3A_75 = arith.constant 0 : i32
        %add3A_76 = arith.addi %mul3A_74, %add3A_75 : i32
        %mul3A_77 = arith.constant 16 : i32
        %mul3A_78 = arith.muli %add3A_76, %mul3A_77 : i32
        %get3A = arith.constant 8192 : i32
        %get3A_79 = tpu.memref_slice %arg4[%get3A] : memref<16384xi32, #tpu.memory_space<vmem>> -> memref<8192xi32, #tpu.memory_space<vmem>>
        %get3A_80 = arith.index_cast %mul3A_78 : i32 to index
        %get3A_81 = tpu.vector_load %get3A_79[%get3A_80] {strides = array<i32>} : memref<8192xi32, #tpu.memory_space<vmem>>, vector<16xi32>,
        %mul3A_82 = arith.constant 8 : i32
        %mul3A_83 = arith.muli %scan3A_71, %mul3A_82 : i32
        %add3A_84 = arith.constant 1 : i32
        %add3A_85 = arith.addi %mul3A_83, %add3A_84 : i32
        %mul3A_86 = arith.constant 16 : i32
        %mul3A_87 = arith.muli %add3A_85, %mul3A_86 : i32
        %get3A_88 = arith.constant 8192 : i32
        %get3A_89 = tpu.memref_slice %arg4[%get3A_88] : memref<16384xi32, #tpu.memory_space<vmem>> -> memref<8192xi32, #tpu.memory_space<vmem>>
        %get3A_90 = arith.index_cast %mul3A_87 : i32 to index
        %get3A_91 = tpu.vector_load %get3A_89[%get3A_90] {strides = array<i32>} : memref<8192xi32, #tpu.memory_space<vmem>>, vector<16xi32>,
        %mul3A_92 = arith.constant 8 : i32
        %mul3A_93 = arith.muli %scan3A_71, %mul3A_92 : i32
        %add3A_94 = arith.constant 2 : i32
        %add3A_95 = arith.addi %mul3A_93, %add3A_94 : i32
        %mul3A_96 = arith.constant 16 : i32
        %mul3A_97 = arith.muli %add3A_95, %mul3A_96 : i32
        %get3A_98 = arith.constant 8192 : i32
        %get3A_99 = tpu.memref_slice %arg4[%get3A_98] : memref<16384xi32, #tpu.memory_space<vmem>> -> memref<8192xi32, #tpu.memory_space<vmem>>
        %get3A_100 = arith.index_cast %mul3A_97 : i32 to index
        %get3A_101 = tpu.vector_load %get3A_99[%get3A_100] {strides = array<i32>} : memref<8192xi32, #tpu.memory_space<vmem>>, vector<16xi32>,
        %mul3A_102 = arith.constant 8 : i32
        %mul3A_103 = arith.muli %scan3A_71, %mul3A_102 : i32
        %add3A_104 = arith.constant 3 : i32
        %add3A_105 = arith.addi %mul3A_103, %add3A_104 : i32
        %mul3A_106 = arith.constant 16 : i32
        %mul3A_107 = arith.muli %add3A_105, %mul3A_106 : i32
        %get3A_108 = arith.constant 8192 : i32
        %get3A_109 = tpu.memref_slice %arg4[%get3A_108] : memref<16384xi32, #tpu.memory_space<vmem>> -> memref<8192xi32, #tpu.memory_space<vmem>>
        %get3A_110 = arith.index_cast %mul3A_107 : i32 to index
        %get3A_111 = tpu.vector_load %get3A_109[%get3A_110] {strides = array<i32>} : memref<8192xi32, #tpu.memory_space<vmem>>, vector<16xi32>,
        %mul3A_112 = arith.constant 8 : i32
        %mul3A_113 = arith.muli %scan3A_71, %mul3A_112 : i32
        %add3A_114 = arith.constant 4 : i32
        %add3A_115 = arith.addi %mul3A_113, %add3A_114 : i32
        %mul3A_116 = arith.constant 16 : i32
        %mul3A_117 = arith.muli %add3A_115, %mul3A_116 : i32
        %get3A_118 = arith.constant 8192 : i32
        %get3A_119 = tpu.memref_slice %arg4[%get3A_118] : memref<16384xi32, #tpu.memory_space<vmem>> -> memref<8192xi32, #tpu.memory_space<vmem>>
        %get3A_120 = arith.index_cast %mul3A_117 : i32 to index
        %get3A_121 = tpu.vector_load %get3A_119[%get3A_120] {strides = array<i32>} : memref<8192xi32, #tpu.memory_space<vmem>>, vector<16xi32>,
        %mul3A_122 = arith.constant 8 : i32
        %mul3A_123 = arith.muli %scan3A_71, %mul3A_122 : i32
        %add3A_124 = arith.constant 5 : i32
        %add3A_125 = arith.addi %mul3A_123, %add3A_124 : i32
        %mul3A_126 = arith.constant 16 : i32
        %mul3A_127 = arith.muli %add3A_125, %mul3A_126 : i32
        %get3A_128 = arith.constant 8192 : i32
        %get3A_129 = tpu.memref_slice %arg4[%get3A_128] : memref<16384xi32, #tpu.memory_space<vmem>> -> memref<8192xi32, #tpu.memory_space<vmem>>
        %get3A_130 = arith.index_cast %mul3A_127 : i32 to index
        %get3A_131 = tpu.vector_load %get3A_129[%get3A_130] {strides = array<i32>} : memref<8192xi32, #tpu.memory_space<vmem>>, vector<16xi32>,
        %mul3A_132 = arith.constant 8 : i32
        %mul3A_133 = arith.muli %scan3A_71, %mul3A_132 : i32
        %add3A_134 = arith.constant 6 : i32
        %add3A_135 = arith.addi %mul3A_133, %add3A_134 : i32
        %mul3A_136 = arith.constant 16 : i32
        %mul3A_137 = arith.muli %add3A_135, %mul3A_136 : i32
        %get3A_138 = arith.constant 8192 : i32
        %get3A_139 = tpu.memref_slice %arg4[%get3A_138] : memref<16384xi32, #tpu.memory_space<vmem>> -> memref<8192xi32, #tpu.memory_space<vmem>>
        %get3A_140 = arith.index_cast %mul3A_137 : i32 to index
        %get3A_141 = tpu.vector_load %get3A_139[%get3A_140] {strides = array<i32>} : memref<8192xi32, #tpu.memory_space<vmem>>, vector<16xi32>,
        %mul3A_142 = arith.constant 8 : i32
        %mul3A_143 = arith.muli %scan3A_71, %mul3A_142 : i32
        %add3A_144 = arith.constant 7 : i32
        %add3A_145 = arith.addi %mul3A_143, %add3A_144 : i32
        %mul3A_146 = arith.constant 16 : i32
        %mul3A_147 = arith.muli %add3A_145, %mul3A_146 : i32
        %get3A_148 = arith.constant 8192 : i32
        %get3A_149 = tpu.memref_slice %arg4[%get3A_148] : memref<16384xi32, #tpu.memory_space<vmem>> -> memref<8192xi32, #tpu.memory_space<vmem>>
        %get3A_150 = arith.index_cast %mul3A_147 : i32 to index
        %get3A_151 = tpu.vector_load %get3A_149[%get3A_150] {strides = array<i32>} : memref<8192xi32, #tpu.memory_space<vmem>>, vector<16xi32>,
        %and3A = arith.constant 65535 : i32
        %and3A_152 = vector.broadcast %and3A : i32 to vector<16xi32>
        %and3A_153 = arith.andi %get3A_81, %and3A_152 : vector<16xi32>
        %and3A_154 = arith.constant 65535 : i32
        %and3A_155 = vector.broadcast %and3A_154 : i32 to vector<16xi32>
        %and3A_156 = arith.andi %get3A_91, %and3A_155 : vector<16xi32>
        %and3A_157 = arith.constant 65535 : i32
        %and3A_158 = vector.broadcast %and3A_157 : i32 to vector<16xi32>
        %and3A_159 = arith.andi %get3A_101, %and3A_158 : vector<16xi32>
        %and3A_160 = arith.constant 65535 : i32
        %and3A_161 = vector.broadcast %and3A_160 : i32 to vector<16xi32>
        %and3A_162 = arith.andi %get3A_111, %and3A_161 : vector<16xi32>
        %and3A_163 = arith.constant 65535 : i32
        %and3A_164 = vector.broadcast %and3A_163 : i32 to vector<16xi32>
        %and3A_165 = arith.andi %get3A_121, %and3A_164 : vector<16xi32>
        %and3A_166 = arith.constant 65535 : i32
        %and3A_167 = vector.broadcast %and3A_166 : i32 to vector<16xi32>
        %and3A_168 = arith.andi %get3A_131, %and3A_167 : vector<16xi32>
        %and3A_169 = arith.constant 65535 : i32
        %and3A_170 = vector.broadcast %and3A_169 : i32 to vector<16xi32>
        %and3A_171 = arith.andi %get3A_141, %and3A_170 : vector<16xi32>
        %and3A_172 = arith.constant 65535 : i32
        %and3A_173 = vector.broadcast %and3A_172 : i32 to vector<16xi32>
        %and3A_174 = arith.andi %get3A_151, %and3A_173 : vector<16xi32>
        %shift_right_logical3A = arith.constant 16 : i32
        %shift_right_logical3A_175 = vector.broadcast %shift_right_logical3A : i32 to vector<16xi32>
        %shift_right_logical3A_176 = arith.shrui %get3A_81, %shift_right_logical3A_175 : vector<16xi32>
        %shift_right_logical3A_177 = arith.constant 16 : i32
        %shift_right_logical3A_178 = vector.broadcast %shift_right_logical3A_177 : i32 to vector<16xi32>
        %shift_right_logical3A_179 = arith.shrui %get3A_91, %shift_right_logical3A_178 : vector<16xi32>
        %shift_right_logical3A_180 = arith.constant 16 : i32
        %shift_right_logical3A_181 = vector.broadcast %shift_right_logical3A_180 : i32 to vector<16xi32>
        %shift_right_logical3A_182 = arith.shrui %get3A_101, %shift_right_logical3A_181 : vector<16xi32>
        %shift_right_logical3A_183 = arith.constant 16 : i32
        %shift_right_logical3A_184 = vector.broadcast %shift_right_logical3A_183 : i32 to vector<16xi32>
        %shift_right_logical3A_185 = arith.shrui %get3A_111, %shift_right_logical3A_184 : vector<16xi32>
        %shift_right_logical3A_186 = arith.constant 16 : i32
        %shift_right_logical3A_187 = vector.broadcast %shift_right_logical3A_186 : i32 to vector<16xi32>
        %shift_right_logical3A_188 = arith.shrui %get3A_121, %shift_right_logical3A_187 : vector<16xi32>
        %shift_right_logical3A_189 = arith.constant 16 : i32
        %shift_right_logical3A_190 = vector.broadcast %shift_right_logical3A_189 : i32 to vector<16xi32>
        %shift_right_logical3A_191 = arith.shrui %get3A_131, %shift_right_logical3A_190 : vector<16xi32>
        %shift_right_logical3A_192 = arith.constant 16 : i32
        %shift_right_logical3A_193 = vector.broadcast %shift_right_logical3A_192 : i32 to vector<16xi32>
        %shift_right_logical3A_194 = arith.shrui %get3A_141, %shift_right_logical3A_193 : vector<16xi32>
        %shift_right_logical3A_195 = arith.constant 16 : i32
        %shift_right_logical3A_196 = vector.broadcast %shift_right_logical3A_195 : i32 to vector<16xi32>
        %shift_right_logical3A_197 = arith.shrui %get3A_151, %shift_right_logical3A_196 : vector<16xi32>
        tpu.vector_store_idx %arg5[%and3A_153], %broadcast_in_dim3A_11 {add = true} : memref<38912xi32, #tpu.memory_space<vmem>>[vector<16xi32>], vector<16xi32>,
        tpu.vector_store_idx %arg5[%and3A_156], %broadcast_in_dim3A_11 {add = true} : memref<38912xi32, #tpu.memory_space<vmem>>[vector<16xi32>], vector<16xi32>,
        tpu.vector_store_idx %arg5[%and3A_159], %broadcast_in_dim3A_11 {add = true} : memref<38912xi32, #tpu.memory_space<vmem>>[vector<16xi32>], vector<16xi32>,
        tpu.vector_store_idx %arg5[%and3A_162], %broadcast_in_dim3A_11 {add = true} : memref<38912xi32, #tpu.memory_space<vmem>>[vector<16xi32>], vector<16xi32>,
        tpu.vector_store_idx %arg5[%and3A_165], %broadcast_in_dim3A_11 {add = true} : memref<38912xi32, #tpu.memory_space<vmem>>[vector<16xi32>], vector<16xi32>,
        tpu.vector_store_idx %arg5[%and3A_168], %broadcast_in_dim3A_11 {add = true} : memref<38912xi32, #tpu.memory_space<vmem>>[vector<16xi32>], vector<16xi32>,
        tpu.vector_store_idx %arg5[%and3A_171], %broadcast_in_dim3A_11 {add = true} : memref<38912xi32, #tpu.memory_space<vmem>>[vector<16xi32>], vector<16xi32>,
        tpu.vector_store_idx %arg5[%and3A_174], %broadcast_in_dim3A_11 {add = true} : memref<38912xi32, #tpu.memory_space<vmem>>[vector<16xi32>], vector<16xi32>,
        tpu.vector_store_idx %arg5[%shift_right_logical3A_176], %broadcast_in_dim3A_11 {add = true} : memref<38912xi32, #tpu.memory_space<vmem>>[vector<16xi32>], vector<16xi32>,
        tpu.vector_store_idx %arg5[%shift_right_logical3A_179], %broadcast_in_dim3A_11 {add = true} : memref<38912xi32, #tpu.memory_space<vmem>>[vector<16xi32>], vector<16xi32>,
        tpu.vector_store_idx %arg5[%shift_right_logical3A_182], %broadcast_in_dim3A_11 {add = true} : memref<38912xi32, #tpu.memory_space<vmem>>[vector<16xi32>], vector<16xi32>,
        tpu.vector_store_idx %arg5[%shift_right_logical3A_185], %broadcast_in_dim3A_11 {add = true} : memref<38912xi32, #tpu.memory_space<vmem>>[vector<16xi32>], vector<16xi32>,
        tpu.vector_store_idx %arg5[%shift_right_logical3A_188], %broadcast_in_dim3A_11 {add = true} : memref<38912xi32, #tpu.memory_space<vmem>>[vector<16xi32>], vector<16xi32>,
        tpu.vector_store_idx %arg5[%shift_right_logical3A_191], %broadcast_in_dim3A_11 {add = true} : memref<38912xi32, #tpu.memory_space<vmem>>[vector<16xi32>], vector<16xi32>,
        tpu.vector_store_idx %arg5[%shift_right_logical3A_194], %broadcast_in_dim3A_11 {add = true} : memref<38912xi32, #tpu.memory_space<vmem>>[vector<16xi32>], vector<16xi32>,
        tpu.vector_store_idx %arg5[%shift_right_logical3A_197], %broadcast_in_dim3A_11 {add = true} : memref<38912xi32, #tpu.memory_space<vmem>>[vector<16xi32>], vector<16xi32>,
        %scan3A_198 = arith.constant 0 : i32
        scf.yield %scan3A_198 : i32
      }
      %scan3A_69 = arith.constant 64 : i32
      %scan3A_70 = arith.constant 0 : i32
      scf.yield %scan3A_70 : i32
    }
    %scan3A_25 = arith.constant 19 : i32
    "tpu.region"() ({
      %run_scoped3A = tpu.sem_alloc : memref<!tpu.dma_semaphore, #tpu.memory_space<semaphore_mem>>
      %dma_start3A_26 = arith.constant 0 : i32
      %dma_start3A_27 = tpu.memref_slice %arg3[%add3A, %dma_start3A_26] : memref<32x38912xi32, #tpu.memory_space<hbm>> -> memref<1x38912xi32, #tpu.memory_space<hbm>>
      %dma_start3A_28 = tpu.memref_squeeze %dma_start3A_27 : memref<1x38912xi32, #tpu.memory_space<hbm>> -> memref<38912xi32, #tpu.memory_space<hbm>>
      %dma_start3A_29 = arith.constant 0 : i32
      %dma_start3A_30 = tpu.memref_slice %arg3[%add3A, %dma_start3A_29] : memref<32x38912xi32, #tpu.memory_space<hbm>> -> memref<1x38912xi32, #tpu.memory_space<hbm>>
      %dma_start3A_31 = tpu.memref_squeeze %dma_start3A_30 : memref<1x38912xi32, #tpu.memory_space<hbm>> -> memref<38912xi32, #tpu.memory_space<hbm>>
      tpu.enqueue_dma source(%arg5 : memref<38912xi32, #tpu.memory_space<vmem>>) target(%dma_start3A_31 : memref<38912xi32, #tpu.memory_space<hbm>>) target_semaphore(%run_scoped3A : memref<!tpu.dma_semaphore, #tpu.memory_space<semaphore_mem>>)
      %dma_wait3A = arith.constant 0 : i32
      %dma_wait3A_32 = tpu.memref_slice %arg3[%add3A, %dma_wait3A] : memref<32x38912xi32, #tpu.memory_space<hbm>> -> memref<1x38912xi32, #tpu.memory_space<hbm>>
      %dma_wait3A_33 = tpu.memref_squeeze %dma_wait3A_32 : memref<1x38912xi32, #tpu.memory_space<hbm>> -> memref<38912xi32, #tpu.memory_space<hbm>>
      %dma_wait3A_34 = arith.constant 0 : i32
      %dma_wait3A_35 = tpu.memref_slice %arg3[%add3A, %dma_wait3A_34] : memref<32x38912xi32, #tpu.memory_space<hbm>> -> memref<1x38912xi32, #tpu.memory_space<hbm>>
      %dma_wait3A_36 = tpu.memref_squeeze %dma_wait3A_35 : memref<1x38912xi32, #tpu.memory_space<hbm>> -> memref<38912xi32, #tpu.memory_space<hbm>>
      tpu.wait_dma2 semaphore(%run_scoped3A : memref<!tpu.dma_semaphore, #tpu.memory_space<semaphore_mem>>) src(%arg5 : memref<38912xi32, #tpu.memory_space<vmem>>) dst(%dma_wait3A_36 : memref<38912xi32, #tpu.memory_space<hbm>>)
      tpu.yield
    }) : () -> ()
    return
  }
}

module attributes {stable_mosaic.version = 14 : i64} {
  func.func @_bucket_body(%arg0: i32, %arg1: i32, %arg2: memref<1x19x64x512xf32, #tpu.memory_space<vmem>>, %arg3: memref<1x64x512xi32, #tpu.memory_space<vmem>>, %arg4: memref<2432x128xi32, #tpu.memory_space<vmem>>) attributes {dimension_semantics = [#tpu.dimension_semantics<arbitrary>, #tpu.dimension_semantics<arbitrary>], iteration_bounds = array<i64: 4, 8>, scalar_prefetch = 0 : i64, scratch_operands = 0 : i64, tpu.core_type = #tpu.core_type<tc>, window_params = [{transform_indices = @transform_0, window_bounds = array<i64: 1, 19, 64, 512>}, {transform_indices = @transform_1, window_bounds = array<i64: 1, 64, 512>}, {transform_indices = @transform_2, window_bounds = array<i64: 2432, 128>}]} {
    %get3A = arith.constant 0 : index
    %get3A_0 = arith.constant 0 : index
    %get3A_1 = arith.constant 0 : index
    %get3A_2 = arith.constant 0 : index
    %get3A_3 = vector.load %arg2[%get3A, %get3A_0, %get3A_1, %get3A_2] : memref<1x19x64x512xf32, #tpu.memory_space<vmem>>, vector<1x19x64x512xf32>
    %get3A_4 = vector.shape_cast %get3A_3 : vector<1x19x64x512xf32> to vector<19x64x512xf32>
    %get3A_5 = arith.constant 0 : index
    %get3A_6 = arith.constant 0 : index
    %get3A_7 = arith.constant 0 : index
    %get3A_8 = vector.load %arg3[%get3A_5, %get3A_6, %get3A_7] : memref<1x64x512xi32, #tpu.memory_space<vmem>>, vector<1x64x512xi32>
    %get3A_9 = vector.shape_cast %get3A_8 : vector<1x64x512xi32> to vector<64x512xi32>
    %reduce_max3A = arith.constant dense<0xFF800000> : vector<64x512xf32>
    %reduce_max3A_10 = vector.multi_reduction <maximumf>, %get3A_4, %reduce_max3A [0] : vector<19x64x512xf32> to vector<64x512xf32>
    %broadcast_in_dim3A = vector.shape_cast %reduce_max3A_10 : vector<64x512xf32> to vector<1x64x512xf32>
    %sub3A = vector.broadcast %broadcast_in_dim3A : vector<1x64x512xf32> to vector<19x64x512xf32>
    %sub3A_11 = arith.subf %get3A_4, %sub3A : vector<19x64x512xf32>
    %exp3A = math.exp %sub3A_11 : vector<19x64x512xf32>
    %reduce_sum3A = arith.constant dense<0.000000e+00> : vector<64x512xf32>
    %reduce_sum3A_12 = vector.multi_reduction <add>, %exp3A, %reduce_sum3A [0] : vector<19x64x512xf32> to vector<64x512xf32>
    %div3A = arith.constant 1.000000e+00 : f32
    %div3A_13 = vector.broadcast %div3A : f32 to vector<64x512xf32>
    %div3A_14 = arith.divf %div3A_13, %reduce_sum3A_12 : vector<64x512xf32>
    %broadcast_in_dim3A_15 = vector.shape_cast %div3A_14 : vector<64x512xf32> to vector<1x64x512xf32>
    %mul3A = vector.broadcast %broadcast_in_dim3A_15 : vector<1x64x512xf32> to vector<19x64x512xf32>
    %mul3A_16 = arith.mulf %exp3A, %mul3A : vector<19x64x512xf32>
    %iota3A = tpu.iota {dimensions = array<i32: 0>} : vector<19x64x512xi32>
    %broadcast_in_dim3A_17 = vector.shape_cast %get3A_9 : vector<64x512xi32> to vector<1x64x512xi32>
    %eq3A = vector.broadcast %broadcast_in_dim3A_17 : vector<1x64x512xi32> to vector<19x64x512xi32>
    %eq3A_18 = arith.cmpi eq, %eq3A, %iota3A : vector<19x64x512xi32>
    %sub3A_19 = arith.constant 1.000000e+00 : f32
    %sub3A_20 = vector.broadcast %sub3A_19 : f32 to vector<19x64x512xf32>
    %sub3A_21 = arith.subf %sub3A_20, %mul3A_16 : vector<19x64x512xf32>
    %select_n3A = arith.select %eq3A_18, %sub3A_21, %mul3A_16 : vector<19x64x512xi1>, vector<19x64x512xf32>
    %mul3A_22 = arith.constant 1.024000e+03 : f32
    %mul3A_23 = vector.broadcast %mul3A_22 : f32 to vector<19x64x512xf32>
    %mul3A_24 = arith.mulf %select_n3A, %mul3A_23 : vector<19x64x512xf32>
    %convert_element_type3A = arith.fptosi %mul3A_24 : vector<19x64x512xf32> to vector<19x64x512xi32>
    %min3A = arith.constant 1023 : i32
    %min3A_25 = vector.broadcast %min3A : i32 to vector<19x64x512xi32>
    %min3A_26 = arith.minsi %convert_element_type3A, %min3A_25 : vector<19x64x512xi32>
    %jit3A = arith.constant 19456 : i32
    %jit3A_27 = arith.constant 0 : i32
    %broadcast_in_dim3A_28 = vector.broadcast %jit3A : i32 to vector<19x64x512xi32>
    %broadcast_in_dim3A_29 = vector.broadcast %jit3A_27 : i32 to vector<19x64x512xi32>
    %select_n3A_30 = arith.select %eq3A_18, %broadcast_in_dim3A_28, %broadcast_in_dim3A_29 : vector<19x64x512xi1>, vector<19x64x512xi32>
    %mul3A_31 = arith.constant 1024 : i32
    %mul3A_32 = vector.broadcast %mul3A_31 : i32 to vector<19x64x512xi32>
    %mul3A_33 = arith.muli %iota3A, %mul3A_32 : vector<19x64x512xi32>
    %add3A = arith.addi %select_n3A_30, %mul3A_33 : vector<19x64x512xi32>
    %add3A_34 = arith.addi %add3A, %min3A_26 : vector<19x64x512xi32>
    %slice3A = vector.extract_strided_slice %add3A_34 {offsets = [0, 0, 0], sizes = [19, 32, 512], strides = [1, 1, 1]} : vector<19x64x512xi32> to vector<19x32x512xi32>
    %slice3A_35 = vector.extract_strided_slice %add3A_34 {offsets = [0, 32, 0], sizes = [19, 32, 512], strides = [1, 1, 1]} : vector<19x64x512xi32> to vector<19x32x512xi32>
    %shift_left3A = arith.constant 16 : i32
    %shift_left3A_36 = vector.broadcast %shift_left3A : i32 to vector<19x32x512xi32>
    %shift_left3A_37 = arith.shli %slice3A_35, %shift_left3A_36 : vector<19x32x512xi32>
    %or3A = arith.ori %slice3A, %shift_left3A_37 : vector<19x32x512xi32>
    %slice3A_38 = vector.extract_strided_slice %or3A {offsets = [0, 0, 0], sizes = [19, 32, 128], strides = [1, 1, 1]} : vector<19x32x512xi32> to vector<19x32x128xi32>
    %reshape3A = vector.shape_cast %slice3A_38 : vector<19x32x128xi32> to vector<608x128xi32>
    %swap3A = arith.constant 0 : index
    %swap3A_39 = arith.constant 0 : index
    %swap3A_40 = vector.load %arg4[%swap3A, %swap3A_39] : memref<2432x128xi32, #tpu.memory_space<vmem>>, vector<608x128xi32>
    tpu.vector_store %arg4[%swap3A, %swap3A_39], %reshape3A {strides = array<i32>} : memref<2432x128xi32, #tpu.memory_space<vmem>>, vector<608x128xi32>,
    %slice3A_41 = vector.extract_strided_slice %or3A {offsets = [0, 0, 128], sizes = [19, 32, 128], strides = [1, 1, 1]} : vector<19x32x512xi32> to vector<19x32x128xi32>
    %reshape3A_42 = vector.shape_cast %slice3A_41 : vector<19x32x128xi32> to vector<608x128xi32>
    %swap3A_43 = arith.constant 608 : index
    %swap3A_44 = arith.constant 0 : index
    %swap3A_45 = vector.load %arg4[%swap3A_43, %swap3A_44] : memref<2432x128xi32, #tpu.memory_space<vmem>>, vector<608x128xi32>
    tpu.vector_store %arg4[%swap3A_43, %swap3A_44], %reshape3A_42 {strides = array<i32>} : memref<2432x128xi32, #tpu.memory_space<vmem>>, vector<608x128xi32>,
    %slice3A_46 = vector.extract_strided_slice %or3A {offsets = [0, 0, 256], sizes = [19, 32, 128], strides = [1, 1, 1]} : vector<19x32x512xi32> to vector<19x32x128xi32>
    %reshape3A_47 = vector.shape_cast %slice3A_46 : vector<19x32x128xi32> to vector<608x128xi32>
    %swap3A_48 = arith.constant 1216 : index
    %swap3A_49 = arith.constant 0 : index
    %swap3A_50 = vector.load %arg4[%swap3A_48, %swap3A_49] : memref<2432x128xi32, #tpu.memory_space<vmem>>, vector<608x128xi32>
    tpu.vector_store %arg4[%swap3A_48, %swap3A_49], %reshape3A_47 {strides = array<i32>} : memref<2432x128xi32, #tpu.memory_space<vmem>>, vector<608x128xi32>,
    %slice3A_51 = vector.extract_strided_slice %or3A {offsets = [0, 0, 384], sizes = [19, 32, 128], strides = [1, 1, 1]} : vector<19x32x512xi32> to vector<19x32x128xi32>
    %reshape3A_52 = vector.shape_cast %slice3A_51 : vector<19x32x128xi32> to vector<608x128xi32>
    %swap3A_53 = arith.constant 1824 : index
    %swap3A_54 = arith.constant 0 : index
    %swap3A_55 = vector.load %arg4[%swap3A_53, %swap3A_54] : memref<2432x128xi32, #tpu.memory_space<vmem>>, vector<608x128xi32>
    tpu.vector_store %arg4[%swap3A_53, %swap3A_54], %reshape3A_52 {strides = array<i32>} : memref<2432x128xi32, #tpu.memory_space<vmem>>, vector<608x128xi32>,
    return
  }
  func.func @transform_0(%arg0: i32, %arg1: i32) -> (i32, i32, i32, i32) {
    %c0_i32 = arith.constant 0 : i32
    %c0_i32_0 = arith.constant 0 : i32
    %c0_i32_1 = arith.constant 0 : i32
    return %arg0, %c0_i32, %arg1, %c0_i32_0 : i32, i32, i32, i32
  }
  func.func @transform_1(%arg0: i32, %arg1: i32) -> (i32, i32, i32) {
    %c0_i32 = arith.constant 0 : i32
    %c0_i32_0 = arith.constant 0 : i32
    return %arg0, %arg1, %c0_i32 : i32, i32, i32
  }
  func.func @transform_2(%arg0: i32, %arg1: i32) -> (i32, i32) {
    %mul3A = arith.constant 8 : i32
    %mul3A_0 = arith.muli %arg0, %mul3A : i32
    %add3A = arith.addi %mul3A_0, %arg1 : i32
    %c0_i32 = arith.constant 0 : i32
    %c0_i32_1 = arith.constant 0 : i32
    return %add3A, %c0_i32 : i32, i32
  }
}

module attributes {stable_mosaic.version = 14 : i64} {
  func.func @_finish_body(%arg0: memref<32x2x19x1024xi32, #tpu.memory_space<vmem>>, %arg1: memref<1024x1024xf32, #tpu.memory_space<vmem>>, %arg2: memref<1x1xf32, #tpu.memory_space<vmem>>) attributes {dimension_semantics = [], scalar_prefetch = 0 : i64, scratch_operands = 0 : i64, tpu.core_type = #tpu.core_type<tc>} {
    %get3A = arith.constant 0 : index
    %get3A_0 = arith.constant 0 : index
    %get3A_1 = arith.constant 0 : index
    %get3A_2 = arith.constant 0 : index
    %get3A_3 = vector.load %arg0[%get3A, %get3A_0, %get3A_1, %get3A_2] : memref<32x2x19x1024xi32, #tpu.memory_space<vmem>>, vector<32x2x19x1024xi32>
    %reduce_sum3A = arith.constant dense<0> : vector<2x19x1024xi32>
    %reduce_sum3A_4 = vector.multi_reduction <add>, %get3A_3, %reduce_sum3A [0] : vector<32x2x19x1024xi32> to vector<2x19x1024xi32>
    %convert_element_type3A = arith.sitofp %reduce_sum3A_4 : vector<2x19x1024xi32> to vector<2x19x1024xf32>
    %slice3A = vector.extract_strided_slice %convert_element_type3A {offsets = [0, 0, 0], sizes = [1, 19, 1024], strides = [1, 1, 1]} : vector<2x19x1024xf32> to vector<1x19x1024xf32>
    %squeeze3A = vector.shape_cast %slice3A : vector<1x19x1024xf32> to vector<19x1024xf32>
    %slice3A_5 = vector.extract_strided_slice %convert_element_type3A {offsets = [1, 0, 0], sizes = [1, 19, 1024], strides = [1, 1, 1]} : vector<2x19x1024xf32> to vector<1x19x1024xf32>
    %squeeze3A_6 = vector.shape_cast %slice3A_5 : vector<1x19x1024xf32> to vector<19x1024xf32>
    %add3A = arith.addf %squeeze3A, %squeeze3A_6 : vector<19x1024xf32>
    %get3A_7 = arith.constant 0 : index
    %get3A_8 = arith.constant 0 : index
    %get3A_9 = vector.load %arg1[%get3A_7, %get3A_8] : memref<1024x1024xf32, #tpu.memory_space<vmem>>, vector<1024x1024xf32>
    %dot_general3A = arith.constant dense<0.000000e+00> : vector<19x1024xf32>
    %dot_general3A_10 = tpu.matmul %add3A, %get3A_9, %dot_general3A {dimension_numbers = #tpu.dot_dimension_numbers<[1], [0], [0], [1], [0, 0, 1, 1], [], []>, transpose_lhs_hint = false} : vector<19x1024xf32>, vector<1024x1024xf32>, vector<19x1024xf32> -> vector<19x1024xf32>
    %dot_general3A_11 = arith.constant dense<0.000000e+00> : vector<19x1024xf32>
    %dot_general3A_12 = tpu.matmul %squeeze3A_6, %get3A_9, %dot_general3A_11 {dimension_numbers = #tpu.dot_dimension_numbers<[1], [0], [0], [1], [0, 0, 1, 1], [], []>, transpose_lhs_hint = false} : vector<19x1024xf32>, vector<1024x1024xf32>, vector<19x1024xf32> -> vector<19x1024xf32>
    %slice3A_13 = vector.extract_strided_slice %dot_general3A_12 {offsets = [0, 0], sizes = [19, 1], strides = [1, 1]} : vector<19x1024xf32> to vector<19x1xf32>
    %add3A_14 = vector.broadcast %slice3A_13 : vector<19x1xf32> to vector<19x1024xf32>
    %add3A_15 = arith.addf %add3A_14, %dot_general3A_10 : vector<19x1024xf32>
    %sub3A = arith.subf %add3A_15, %dot_general3A_12 : vector<19x1024xf32>
    %gt3A = arith.constant 0.000000e+00 : f32
    %gt3A_16 = vector.broadcast %gt3A : f32 to vector<19x1024xf32>
    %gt3A_17 = arith.cmpf ogt, %sub3A, %gt3A_16 : vector<19x1024xf32>
    %jit3A = arith.constant 1.000000e+00 : f32
    %broadcast_in_dim3A = vector.broadcast %jit3A : f32 to vector<19x1024xf32>
    %select_n3A = arith.select %gt3A_17, %sub3A, %broadcast_in_dim3A : vector<19x1024xi1>, vector<19x1024xf32>
    %gt3A_18 = arith.constant 0.000000e+00 : f32
    %gt3A_19 = vector.broadcast %gt3A_18 : f32 to vector<19x1024xf32>
    %gt3A_20 = arith.cmpf ogt, %sub3A, %gt3A_19 : vector<19x1024xf32>
    %sub3A_21 = vector.broadcast %slice3A_13 : vector<19x1xf32> to vector<19x1024xf32>
    %sub3A_22 = arith.subf %sub3A_21, %dot_general3A_12 : vector<19x1024xf32>
    %div3A = arith.divf %sub3A_22, %select_n3A : vector<19x1024xf32>
    %sub3A_23 = arith.constant 1.000000e+00 : f32
    %sub3A_24 = vector.broadcast %sub3A_23 : f32 to vector<19x1024xf32>
    %sub3A_25 = arith.subf %sub3A_24, %div3A : vector<19x1024xf32>
    %jit3A_26 = arith.constant 0.000000e+00 : f32
    %broadcast_in_dim3A_27 = vector.broadcast %jit3A_26 : f32 to vector<19x1024xf32>
    %select_n3A_28 = arith.select %gt3A_20, %sub3A_25, %broadcast_in_dim3A_27 : vector<19x1024xi1>, vector<19x1024xf32>
    %sub3A_29 = arith.subf %dot_general3A_10, %add3A : vector<19x1024xf32>
    %sub3A_30 = arith.subf %dot_general3A_12, %squeeze3A_6 : vector<19x1024xf32>
    %add3A_31 = vector.broadcast %slice3A_13 : vector<19x1xf32> to vector<19x1024xf32>
    %add3A_32 = arith.addf %add3A_31, %sub3A_29 : vector<19x1024xf32>
    %sub3A_33 = arith.subf %add3A_32, %sub3A_30 : vector<19x1024xf32>
    %gt3A_34 = arith.constant 0.000000e+00 : f32
    %gt3A_35 = vector.broadcast %gt3A_34 : f32 to vector<19x1024xf32>
    %gt3A_36 = arith.cmpf ogt, %sub3A_33, %gt3A_35 : vector<19x1024xf32>
    %jit3A_37 = arith.constant 1.000000e+00 : f32
    %broadcast_in_dim3A_38 = vector.broadcast %jit3A_37 : f32 to vector<19x1024xf32>
    %select_n3A_39 = arith.select %gt3A_36, %sub3A_33, %broadcast_in_dim3A_38 : vector<19x1024xi1>, vector<19x1024xf32>
    %gt3A_40 = arith.constant 0.000000e+00 : f32
    %gt3A_41 = vector.broadcast %gt3A_40 : f32 to vector<19x1024xf32>
    %gt3A_42 = arith.cmpf ogt, %sub3A_33, %gt3A_41 : vector<19x1024xf32>
    %sub3A_43 = vector.broadcast %slice3A_13 : vector<19x1xf32> to vector<19x1024xf32>
    %sub3A_44 = arith.subf %sub3A_43, %sub3A_30 : vector<19x1024xf32>
    %div3A_45 = arith.divf %sub3A_44, %select_n3A_39 : vector<19x1024xf32>
    %sub3A_46 = arith.constant 1.000000e+00 : f32
    %sub3A_47 = vector.broadcast %sub3A_46 : f32 to vector<19x1024xf32>
    %sub3A_48 = arith.subf %sub3A_47, %div3A_45 : vector<19x1024xf32>
    %jit3A_49 = arith.constant 0.000000e+00 : f32
    %broadcast_in_dim3A_50 = vector.broadcast %jit3A_49 : f32 to vector<19x1024xf32>
    %select_n3A_51 = arith.select %gt3A_42, %sub3A_48, %broadcast_in_dim3A_50 : vector<19x1024xi1>, vector<19x1024xf32>
    %iota3A = tpu.iota {dimensions = array<i32: 1>} : vector<19x1024xi32>
    %convert_element_type3A_52 = arith.sitofp %iota3A : vector<19x1024xi32> to vector<19x1024xf32>
    %add3A_53 = arith.constant 5.000000e-01 : f32
    %add3A_54 = vector.broadcast %add3A_53 : f32 to vector<19x1024xf32>
    %add3A_55 = arith.addf %convert_element_type3A_52, %add3A_54 : vector<19x1024xf32>
    %div3A_56 = arith.constant 1.024000e+03 : f32
    %div3A_57 = vector.broadcast %div3A_56 : f32 to vector<19x1024xf32>
    %div3A_58 = arith.divf %add3A_55, %div3A_57 : vector<19x1024xf32>
    %sub3A_59 = arith.subf %select_n3A_28, %select_n3A_51 : vector<19x1024xf32>
    %mul3A = arith.mulf %div3A_58, %sub3A_59 : vector<19x1024xf32>
    %reduce_sum3A_60 = arith.constant dense<0.000000e+00> : vector<19xf32>
    %reduce_sum3A_61 = vector.multi_reduction <add>, %mul3A, %reduce_sum3A_60 [1] : vector<19x1024xf32> to vector<19xf32>
    %broadcast_in_dim3A_62 = vector.shape_cast %reduce_sum3A_61 : vector<19xf32> to vector<19x1xf32>
    %gt3A_63 = arith.constant 0.000000e+00 : f32
    %gt3A_64 = vector.broadcast %gt3A_63 : f32 to vector<19x1xf32>
    %gt3A_65 = arith.cmpf ogt, %slice3A_13, %gt3A_64 : vector<19x1xf32>
    %convert_element_type3A_66 = arith.extui %gt3A_65 : vector<19x1xi1> to vector<19x1xi32>
    %convert_element_type3A_67 = arith.sitofp %convert_element_type3A_66 : vector<19x1xi32> to vector<19x1xf32>
    %mul3A_68 = arith.mulf %broadcast_in_dim3A_62, %convert_element_type3A_67 : vector<19x1xf32>
    %reduce_sum3A_69 = vector.shape_cast %mul3A_68 : vector<19x1xf32> to vector<1x19x1xf32>
    %reduce_sum3A_70 = arith.constant dense<0.000000e+00> : vector<1xf32>
    %reduce_sum3A_71 = vector.multi_reduction <add>, %reduce_sum3A_69, %reduce_sum3A_70 [1, 2] : vector<1x19x1xf32> to vector<1xf32>
    %reduce_sum3A_72 = vector.shape_cast %reduce_sum3A_71 : vector<1xf32> to vector<1x1x1xf32>
    %reduce_sum3A_73 = vector.extract %reduce_sum3A_72[0, 0, 0] : f32 from vector<1x1x1xf32>
    %reduce_sum3A_74 = vector.shape_cast %convert_element_type3A_67 : vector<19x1xf32> to vector<1x19x1xf32>
    %reduce_sum3A_75 = arith.constant dense<0.000000e+00> : vector<1xf32>
    %reduce_sum3A_76 = vector.multi_reduction <add>, %reduce_sum3A_74, %reduce_sum3A_75 [1, 2] : vector<1x19x1xf32> to vector<1xf32>
    %reduce_sum3A_77 = vector.shape_cast %reduce_sum3A_76 : vector<1xf32> to vector<1x1x1xf32>
    %reduce_sum3A_78 = vector.extract %reduce_sum3A_77[0, 0, 0] : f32 from vector<1x1x1xf32>
    %max3A = arith.constant 1.000000e+00 : f32
    %max3A_79 = arith.maximumf %reduce_sum3A_78, %max3A : f32
    %div3A_80 = arith.divf %reduce_sum3A_73, %max3A_79 : f32
    %broadcast_in_dim3A_81 = vector.broadcast %div3A_80 : f32 to vector<1x1xf32>
    %swap3A = arith.constant 0 : index
    %swap3A_82 = arith.constant 0 : index
    %swap3A_83 = vector.load %arg2[%swap3A, %swap3A_82] : memref<1x1xf32, #tpu.memory_space<vmem>>, vector<1x1xf32>
    tpu.vector_store %arg2[%swap3A, %swap3A_82], %broadcast_in_dim3A_81 {strides = array<i32>} : memref<1x1xf32, #tpu.memory_space<vmem>>, vector<1x1xf32>,
    return
  }
}

</mosaic_0001>

<sc_bundles>
// kernel: kernel.5.cloned.1.call-start
scs
__scs_entry_jumppad:
0x0: {  	(pc) =	sbr.rel $0x88, $3  }
0x1: {  	(tag) =	ssettag $0x0;
	lr =	simm.s32 $0x1  }
0x2: {  	[smem:$0x3F9F] =	sst lr;
	_ =	strace $0xD0000000  }
0x3: {  	_ = 	snop  }
0x4: {  	_ = 	snop  }
0x5: {  	_ = 	snop  }
0x6: {  	_ = 	snop  }
0x7: {  	_ = 	snop  }
__scs_overlays_trampoline_lowered:
0x8: {  	[smem:$0x3FAE] =	sst s0  }
0x9: {  	[smem:$0x3FAF] =	sst s1  }
0xa: {  	[smem:$0x3FB0] =	sst s2  }
0xb: {  	[smem:$0x3FB1] =	sst s3  }
0xc: {  	[smem:$0x3FB2] =	sst s4  }
0xd: {  	[smem:$0x3FB3] =	sst s5  }
0xe: {  	[smem:$0x3FB4] =	sst s6  }
0xf: {  	[smem:$0x3FB5] =	sst s7  }
0x10: {  	[smem:$0x3FB6] =	sst s8  }
0x11: {  	[smem:$0x3FB7] =	sst s9;
	s0 =	simm.s32 @!p0 $0x0  }
0x12: {  	s1 =	sld [smem:$0x3F9D];
	s0 =	simm.s32 @p0 $0x1  }
0x13: {  	[smem:$0x3FB8] =	sst s0;
	s0 =	simm.s32 @!p1 $0x0  }
0x14: {  	s2 =	sld [smem:$0x3F9C];
	s0 =	simm.s32 @p1 $0x1  }
0x15: {  	[smem:$0x3FB9] =	sst s0;
	s0 =	simm.s32 @!p2 $0x0  }
0x16: {  	s3 =	sld [smem:$0x3FDB];
	s0 =	simm.s32 @p2 $0x1  }
0x17: {  	s4 =	simm.s32 $0x1BF5;
	[smem:$0x3FBB] =	sst s0  }
0x18: {  	s0 =	sld [smem:$0x3F9E];
	_ =	swait.ge [sflag:s4], $0x0  }
0x19: {  	s7 =	sld [smem:$0x3F9F]  }
0x1a: {  	s8 =	sadd.s32 $0xFFFFE003, lr  }
0x1b: {  	s9 =	sadd.s32 $0xFFFFFEF7, lr;
	s5 =	simm.s32 $0xFFFFFFFF;
	p2 =	slt.u32 s8, $0xFFFFF086  }
0x1c: {  	p1 =	slt.u32 s9, $0xF7A;
	s5 =	simm.s32 @!p2 $0x0  }
0x1d: {  	s5 =	simm.s32 @p1 $0x1;
	p0 =	seq.s32 s7, s2  }
0x1e: {  	s7 =	smul.u32 @!p0 $0xF7A, s2;
	p2 =	seq.s32 @!p0 s5, $0x0  }
0x1f: {  	s9 =	smul.u32 $0xF7A, s1;
	s8 =	simm.s32 @!p0 $0x1BF5;
	p2 =	por !p2, p0  }
0x20: {  	[sflag:s8] =	ssyncset.s32 @!p0 $0xFFFFF086;
	s6 =	sadd.s32 @!p0 s3, s7;
	s7 =	simm.s32 @!p0 $0x108  }
0x21: {  	s3 =	sadd.s32 s3, s9;
	s6 =	sadd.s32 @!p0 $0x88, s6;
	s7 =	simm.s32 @p2 $0x1082  }
0x22: {  	[simem:s7], [sflag:s8] =	dma.local @!p0 [hbm:s6], $0xF7A  }
0x23: {  	s9 =	sor.u32 $0xD0000000, s2;
	s6 =	simm.s32 $0x108;
	_ =	swait.ge @!p0 [sflag:s8], $0x0  }
0x24: {  	s3 =	sadd.s32 $0x88, s3;
	s6 =	simm.s32 @!p1 $0x1082;
	[sflag:s4] =	ssyncset.s32 $0xFFFFF086  }
0x25: {  	[simem:s6], [sflag:s4] =	dma.local [hbm:s3], $0xF7A  }
0x26: {  	[smem:$0x3F9F] =	sst s1;
	(tag) =	ssettag s2;
	_ =	strace s9  }
0x27: {  	s1 =	sld [smem:$0x3FAF]  }
0x28: {  	s2 =	sld [smem:$0x3FB0]  }
0x29: {  	s4 =	sld [smem:$0x3FB2]  }
0x2a: {  	p0 =	seq.s32 s5, $0x0;
	s5 =	sld [smem:$0x3FB3]  }
0x2b: {  	s6 =	sld [smem:$0x3FB4]  }
0x2c: {  	s7 =	sld [smem:$0x3FB5]  }
0x2d: {  	s3 =	simm.s32 $0x108;
	s8 =	sld [smem:$0x3FB6]  }
0x2e: {  	s3 =	simm.s32 @!p0 $0x1082;
	s9 =	sld [smem:$0x3FB7]  }
0x2f: {  	lr =	sadd.s32 s0, s3;
	s0 =	sld [smem:$0x3FAE]  }
0x30: {  	s3 =	sld [smem:$0x3FB1]  }
0x31: {  	[smem:$0x3FBA] =	sst s10  }
0x32: {  	s10 =	sld [smem:$0x3FB8];
	_ =	sdelay $0x3  }
0x33: {  	p0 =	seq.s32 s10, $0x1;
	s10 =	sld [smem:$0x3FBA];
	_ =	sdelay $0x3  }
0x34: {  	[smem:$0x3FBA] =	sst s10  }
0x35: {  	s10 =	sld [smem:$0x3FB9];
	_ =	sdelay $0x3  }
0x36: {  	p1 =	seq.s32 s10, $0x1;
	s10 =	sld [smem:$0x3FBA];
	_ =	sdelay $0x3  }
0x37: {  	[smem:$0x3FBA] =	sst s10  }
0x38: {  	s10 =	sld [smem:$0x3FBB]  }
0x39: {  	_ = 	snop;
	(pc) =	sbr.ind lr, $3  }
0x3a: {  	_ = 	snop  }
0x3b: {  	_ = 	snop  }
0x3c: {  	p2 =	seq.s32 s10, $0x1;
	s10 =	sld [smem:$0x3FBA]  }
0x3d: {  	_ =	shalt  }
0x3e: {  	_ =	shalt  }
0x3f: {  	_ =	shalt  }
0x40: {  	_ =	shalt  }
0x41: {  	_ =	shalt  }
0x42: {  	_ =	shalt  }
0x43: {  	_ =	shalt  }
0x44: {  	_ =	shalt  }
0x45: {  	_ =	shalt  }
0x46: {  	_ =	shalt  }
0x47: {  	_ =	shalt  }
0x48: {  	_ =	shalt  }
0x49: {  	_ =	shalt  }
0x4a: {  	_ =	shalt  }
0x4b: {  	_ =	shalt  }
0x4c: {  	_ =	shalt  }
0x4d: {  	_ =	shalt  }
0x4e: {  	_ =	shalt  }
0x4f: {  	_ =	shalt  }
0x50: {  	_ =	shalt  }
0x51: {  	_ =	shalt  }
0x52: {  	_ =	shalt  }
0x53: {  	_ =	shalt  }
0x54: {  	_ =	shalt  }
0x55: {  	_ =	shalt  }
0x56: {  	_ =	shalt  }
0x57: {  	_ =	shalt  }
0x58: {  	_ =	shalt  }
0x59: {  	_ =	shalt  }
0x5a: {  	_ =	shalt  }
0x5b: {  	_ =	shalt  }
0x5c: {  	_ =	shalt  }
0x5d: {  	_ =	shalt  }
0x5e: {  	_ =	shalt  }
0x5f: {  	_ =	shalt  }
0x60: {  	_ =	shalt  }
0x61: {  	_ =	shalt  }
0x62: {  	_ =	shalt  }
0x63: {  	_ =	shalt  }
0x64: {  	_ =	shalt  }
0x65: {  	_ =	shalt  }
0x66: {  	_ =	shalt  }
0x67: {  	_ =	shalt  }
0x68: {  	_ =	shalt  }
0x69: {  	_ =	shalt  }
0x6a: {  	_ =	shalt  }
0x6b: {  	_ =	shalt  }
0x6c: {  	_ =	shalt  }
0x6d: {  	_ =	shalt  }
0x6e: {  	_ =	shalt  }
0x6f: {  	_ =	shalt  }
0x70: {  	_ =	shalt  }
0x71: {  	_ =	shalt  }
0x72: {  	_ =	shalt  }
0x73: {  	_ =	shalt  }
0x74: {  	_ =	shalt  }
0x75: {  	_ =	shalt  }
0x76: {  	_ =	shalt  }
0x77: {  	_ =	shalt  }
0x78: {  	_ =	shalt  }
0x79: {  	_ =	shalt  }
0x7a: {  	_ =	shalt  }
0x7b: {  	_ =	shalt  }
0x7c: {  	_ =	shalt  }
0x7d: {  	_ =	shalt  }
0x7e: {  	_ =	shalt  }
0x7f: {  	_ =	shalt  }
0x80: {  	_ =	shalt  }
0x81: {  	_ =	shalt  }
0x82: {  	_ =	shalt  }
0x83: {  	_ =	shalt  }
0x84: {  	_ =	shalt  }
0x85: {  	_ =	shalt  }
0x86: {  	_ =	shalt  }
0x87: {  	_ =	shalt  }
.Lfunc_end0:
.L_simem_size_0:
called_computation_lowered:
.L_overlay_start_0:
0x88: {  	s2 =	sld [smem:$0x3FD9]  }
0x89: {  	s3 =	sld [smem:$0x3FFE];
	_ =	sdelay $0x1  }
0x8a: {  	s1 =	srdreg.scid  }
0x8b: {  	s0 =	sand.u32 $0x1, s1  }
0x8c: {  	s16 =	sshll.u32 s0, $0xA;
	s2 =	sadd.s32 s3, s2  }
0x8d: {  	s2 =	sadd.s32 s2, s16  }
0x8e: {  	[smem:$0x3FC6] =	sst s2  }
0x8f: {  	_ = 	snop  }
0x90: {  	(tm) =	ssettm $0x1  }
0x91: {  	s17 =	sld [smem:$0x3FFB];
	_ =	sdelay $0x3  }
0x92: {  	_ =	strace s17  }
0x93: {  	s2 =	sld [smem:$0x3FFC];
	_ =	sdelay $0x3  }
0x94: {  	_ =	strace s2  }
0x95: {  	s2 =	sld [smem:$0x3FFD];
	_ =	sdelay $0x3  }
0x96: {  	_ =	strace s2  }
0x97: {  	_ =	strace $0x8FFFFFFF  }
0x98: {  	s18 =	sld [smem:$0x3FDB];
	_ =	sdelay $0x1  }
0x99: {  	s19 =	simm.s32 $_scs_section_size  }
0x9a: {  	s4 =	simm.s32 $_size__tile_overlayer_lowered;
	s5 =	simm.s32 $_tile_overlayer_lowered  }
0x9b: {  	s22 =	simm.s32 $0x1BFF;
	s21 =	sshll.u32 s5, $0x1;
	s2 =	sadd.s32 s19, s18  }
0x9c: {  	s6 =	simm.s32 $0x0;
	s20 =	sshll.u32 s4, $0x1;
	s4 =	sadd.s32 s21, s2  }
0x9d: {  	[timem:s6], [sflag:s22] =	dma.local [hbm:s4], s20  }
0x9e: {  	_ =	swait.ge [sflag:s22], s20  }
0x9f: {  	s3 =	ssub.s32 $0x0, s20;
	[sflag:s22] =	ssyncset.done $0x0  }
0xa0: {  	[sflag:s22] =	ssyncadd.s32 s3;
	_ =	sdelay $0x1  }
0xa1: {  	s23 =	simm.s32 $0x1B8B  }
0xa2: {  	_ =	swait.ge [sflag:s23], $0x1  }
0xa3: {  	[sflag:s23] =	ssyncset.done $0x0  }
0xa4: {  	s25 =	simm.s32 $0x1B8E;
	s24 =	sld [smem:$0x3FFE];
	[sflag:s23] =	ssyncadd.s32 $0xFFFFFFFF  }
0xa5: {  	s26 =	simm.s32 $execute0_lowered;
	[smem:$0x3FD2] =	sst s25  }
0xa6: {  	s4 =	sshll.u32 s26, $0x1;
	_ =	strace $0x80000046;
	[dreg:$0x1] =	wrdreg $0xFFFFFFFF  }
0xa7: {  	s28 =	simm.s32 $_size_execute0_lowered;
	s2 =	sadd.s32 s2, s4;
	[dreg:$0x0] =	wrdreg $0x0  }
0xa8: {  	s4 =	sshll.u32 s28, $0x1;
	[dreg:$0x2] =	wrdreg s2  }
0xa9: {  	[dreg:$0x3] =	wrdreg s4  }
0xaa: {  	[dreg:$0x4] =	wrdreg $0xC0  }
0xab: {  	_ =	task [dreg:s6], $0x5FFFF  }
0xac: {  	[dreg:$0x1] =	wrdreg $0xFFFFFFFF  }
0xad: {  	[dreg:$0x0] =	wrdreg $0x60  }
0xae: {  	[dreg:$0x2] =	wrdreg s24  }
0xaf: {  	[dreg:$0x3] =	wrdreg $0x9  }
0xb0: {  	_ =	task.clear_ibuf [dreg:s6], $0x4FFFF;
	_ =	strace $0x90000046  }
0xb1: {  	s29 =	simm.s32 $0x9;
	_ =	strace $0x80000048  }
0xb2: {  	_ =	swait.ge [sflag:s29], $0x1  }
0xb3: {  	[sflag:s29] =	ssyncadd.s32 $0xFFFFFFFF  }
0xb4: {  	_ =	strace $0x90000048  }
0xb5: {  	_ =	sfence  }
0xb6: {  	s30 =	sld [smem:$0x0];
	_ =	sdelay $0x2  }
0xb7: {  	s31 =	sshll.u32 s1, $0xD;
	s1 =	sshrl.u32 s1, $0x2  }
0xb8: {  	s3 =	sand.u32 $0x4000, s31;
	s1 =	sadd.s32 s1, s30  }
0xb9: {  	s0 =	sor.u32 s3, s0;
	s1 =	sshll.u32 s1, $0x11  }
0xba: {  	s0 =	sor.u32 s1, s0  }
0xbb: {  	s0 =	sadd.s32 $0x8F2B, s0  }
0xbc: {  	[sflag:s0] =	ssyncadd.remote.s32 $0x1  }
0xbd: {  	_ =	sfence.sel $0xFFFF  }
0xbe: {  	[dreg:$0x0] =	wrdreg $0xFFFFFFFF;
	(pc) =	sbr.abs _section_cstart, $3  }
0xbf: {  	[dreg:$0x1] =	wrdreg $0xFFFFFFFF  }
0xc0: {  	_ =	task.clear_ibuf [dreg:s6], $0x2FFFF;
	_ =	strace $0x9FFFFFFF  }
0xc1: {  	(tm) =	ssettm $0x7FFFFFFF  }
tec
execute0_lowered:
.L_overlay_start_1:
0x0: {  	(tag) =	ssettag $0x1  }
0x1: {  	s4 =	rddreg [dreg:$0x0];
	s2 =	srdreg.scid  }
0x2: {  	s1 =	stileid.u32;
	s0 =	rddreg [dreg:$0x1];
	s11 =	simm.s32 $0x4000  }
0x3: {  	s12 =	simm.s32 $0x2;
	s13 =	simm.s32 $0x80;
	s14 =	simm.s32 $0x400  }
0x4: {  	s15 =	simm.s32 $0x3;
	s3 =	sand.u32 $0x1, s2;
	s5 =	sshll.u32 s1, $0x1  }
0x5: {  	s2 =	simm.s32 $0x0;
	s6 =	sshrl.u32 s1, $0x2;
	s5 =	sor.u32 s3, s5  }
0x6: {  	[smem:$0x7FF] =	sst s2;
	s6 =	smul.u32 $0x4C000, s6;
	s28 =	ssub.s32 $0x2, s3  }
0x7: {  	s3 =	sadd.s32 $0x600, s4;
	s7 =	sshll.u32 s5, $0x7;
	s8 =	smul.u32 $0x4C000, s5  }
0x8: {  	_ =	strace $0x80000047;
	s30 =	sshrl.u32 s28, $0x1;
	s7 =	sand.u32 $0x380, s7  }
0x9: {  	s10 =	ssub.s32 s28, s30;
	s6 =	sor.u32 s6, s7;
	s31 =	sshrl.u32 s8, $0x3  }
0xa: {  	s5 =	sor.u32 $0x2000, s8;
	s29 =	sshrl.u32 s6, $0x3;
	s6 =	sadd.s32 $0x4000, s8  }
0xb: {  	s8 =	smax.u32 s10, $0x1;
	s10 =	simm.s32 $0x1;
	s9 =	sadd.s32 s29, s4  }
0xc: {  	v0 =	vimm.s32 $0x0;
	v1 =	vimm.s32 $0x1;
	s4 =	sadd.s32 s3, s31;
	s7 =	sadd.s32 $0x130600, s9;
	s9 =	simm.s32 $0x2000  }
.LBB2_1:
0xd: {  	s16 =	simm.s32 $0x40;
	s17 =	simm.s32 $0x0  }
.LBB2_2:
0xe: {  	p0 =	sne.s32 s16, $0x25FC0;
	[tilespmem:s17+$0x4000] =	vst v0;
	s17 =	smov.u32 s16;
	s16 =	sadd.s32 $0x40, s16  }
.Ltmp0:
0xf: {  	(pc) =	sbr.rel @p0 .LBB2_2-.Ltmp0, $2  }
0x10: {  	_ =	sdelay $0x2  }
0x11: {  	s17 =	sshra.s32 s17, $0x2  }
0x12: {  	[tilespmem:s17+$0x4000] =	vst v0;
	s16 =	simm.s32 $0x0;
	s17 =	simm.s32 $0x0  }
0x13: {  	[tilespmem:s16], [sflag:$0x1] =	stream.linear.gather [hbm4b:s4+s16], $0x2000, $0x38;
	[tilespmem:$0xD800] =	vst v63  }
.LBB2_4:
0x14: {  	s18 =	sshll.u32 s17, $0xE  }
0x15: {  	s19 =	sadd.s32 s18, s5  }
0x16: {  	s19 =	sshrl.u32 s19, $0x3  }
0x17: {  	s19 =	sadd.s32 s3, s19  }
0x18: {  	[tilespmem:s9], [sflag:$0x2] =	stream.linear.gather [hbm4b:s19+s16], $0x2000, $0x38;
	[tilespmem:$0xD800] =	vst v63  }
0x19: {  	_ =	swait.ge [sflag:s10], $0x2000  }
0x1a: {  	[sflag:s10] =	ssyncset.done $0x0  }
0x1b: {  	s31 =	simm.s32 $0x0;
	[sflag:s10] =	ssyncadd.s32 $0xFFFFE000  }
0x1c: {  	v2 =	vld [tilespmem:s31+$0x0]  }
0x1d: {  	v3 =	vld [tilespmem:s31+$0x10]  }
0x1e: {  	v4 =	vld [tilespmem:s31+$0x20]  }
0x1f: {  	v5 =	vld [tilespmem:s31+$0x30]  }
0x20: {  	v6 =	vld [tilespmem:s31+$0x40]  }
0x21: {  	v7 =	vld [tilespmem:s31+$0x50];
	v8 =	vand.u32 $0xFFFF, v2  }
0x22: {  	v9 =	vld [tilespmem:s31+$0x60];
	v10 =	vand.u32 $0xFFFF, v3  }
0x23: {  	v11 =	vld [tilespmem:s31+$0x70];
	v12 =	vand.u32 $0xFFFF, v4  }
0x24: {  	v13 =	vand.u32 $0xFFFF, v5  }
0x25: {  	v14 =	vand.u32 $0xFFFF, v6  }
0x26: {  	v60 =	vand.u32 $0xFFFF, v7;
	[tilespmem:v8+s11+$0x0] =	vst.idx.add.s32.msk $0xffff, v1  }
0x27: {  	v61 =	vand.u32 $0xFFFF, v9;
	[tilespmem:v10+s11+$0x0] =	vst.idx.add.s32.msk $0xffff, v1  }
0x28: {  	v62 =	vand.u32 $0xFFFF, v11;
	[tilespmem:v12+s11+$0x0] =	vst.idx.add.s32.msk $0xffff, v1  }
0x29: {  	v2 =	vshrl.u32 v2, $0x10;
	[tilespmem:v13+s11+$0x0] =	vst.idx.add.s32.msk $0xffff, v1  }
0x2a: {  	v3 =	vshrl.u32 v3, $0x10;
	[tilespmem:v14+s11+$0x0] =	vst.idx.add.s32.msk $0xffff, v1  }
0x2b: {  	v4 =	vshrl.u32 v4, $0x10;
	[tilespmem:v60+s11+$0x0] =	vst.idx.add.s32.msk $0xffff, v1  }
0x2c: {  	v5 =	vshrl.u32 v5, $0x10;
	[tilespmem:v61+s11+$0x0] =	vst.idx.add.s32.msk $0xffff, v1  }
0x2d: {  	v6 =	vshrl.u32 v6, $0x10;
	[tilespmem:v62+s11+$0x0] =	vst.idx.add.s32.msk $0xffff, v1  }
0x2e: {  	v7 =	vshrl.u32 v7, $0x10;
	[tilespmem:v2+s11+$0x0] =	vst.idx.add.s32.msk $0xffff, v1  }
0x2f: {  	v63 =	vshrl.u32 v9, $0x10;
	[tilespmem:v3+s11+$0x0] =	vst.idx.add.s32.msk $0xffff, v1  }
0x30: {  	v2 =	vshrl.u32 v11, $0x10;
	[tilespmem:v4+s11+$0x0] =	vst.idx.add.s32.msk $0xffff, v1  }
0x31: {  	[tilespmem:v5+s11+$0x0] =	vst.idx.add.s32.msk $0xffff, v1  }
0x32: {  	[tilespmem:v6+s11+$0x0] =	vst.idx.add.s32.msk $0xffff, v1  }
0x33: {  	[tilespmem:v7+s11+$0x0] =	vst.idx.add.s32.msk $0xffff, v1  }
0x34: {  	s19 =	simm.s32 $0x200;
	[tilespmem:v63+s11+$0x0] =	vst.idx.add.s32.msk $0xffff, v1  }
.LBB2_5:
0x35: {  	s20 =	sshra.s32 s19, $0x2;
	p0 =	sne.s32 s19, $0x7E00;
	s19 =	sadd.s32 $0x200, s19;
	[tilespmem:v2+s11+$0x0] =	vst.idx.add.s32.msk $0xffff, v1  }
0x36: {  	v2 =	vld [tilespmem:s20+$0x0]  }
0x37: {  	v3 =	vld [tilespmem:s20+$0x10]  }
0x38: {  	v4 =	vld [tilespmem:s20+$0x20]  }
0x39: {  	v5 =	vld [tilespmem:s20+$0x30]  }
0x3a: {  	v6 =	vld [tilespmem:s20+$0x40]  }
0x3b: {  	v7 =	vld [tilespmem:s20+$0x50];
	v8 =	vand.u32 $0xFFFF, v2  }
0x3c: {  	v9 =	vld [tilespmem:s20+$0x60];
	v10 =	vand.u32 $0xFFFF, v3  }
0x3d: {  	v11 =	vld [tilespmem:s20+$0x70];
	v12 =	vand.u32 $0xFFFF, v4  }
0x3e: {  	v13 =	vand.u32 $0xFFFF, v5  }
0x3f: {  	v14 =	vand.u32 $0xFFFF, v6  }
0x40: {  	[tilespmem:v8+s11+$0x0] =	vst.idx.add.s32.msk $0xffff, v1;
	v8 =	vand.u32 $0xFFFF, v7  }
0x41: {  	[tilespmem:v10+s11+$0x0] =	vst.idx.add.s32.msk $0xffff, v1;
	v10 =	vand.u32 $0xFFFF, v9  }
0x42: {  	[tilespmem:v12+s11+$0x0] =	vst.idx.add.s32.msk $0xffff, v1;
	v12 =	vand.u32 $0xFFFF, v11  }
0x43: {  	v2 =	vshrl.u32 v2, $0x10;
	[tilespmem:v13+s11+$0x0] =	vst.idx.add.s32.msk $0xffff, v1  }
0x44: {  	v3 =	vshrl.u32 v3, $0x10;
	[tilespmem:v14+s11+$0x0] =	vst.idx.add.s32.msk $0xffff, v1  }
0x45: {  	v4 =	vshrl.u32 v4, $0x10;
	[tilespmem:v8+s11+$0x0] =	vst.idx.add.s32.msk $0xffff, v1  }
0x46: {  	v5 =	vshrl.u32 v5, $0x10;
	[tilespmem:v10+s11+$0x0] =	vst.idx.add.s32.msk $0xffff, v1  }
0x47: {  	v6 =	vshrl.u32 v6, $0x10;
	[tilespmem:v12+s11+$0x0] =	vst.idx.add.s32.msk $0xffff, v1  }
0x48: {  	v7 =	vshrl.u32 v7, $0x10;
	[tilespmem:v2+s11+$0x0] =	vst.idx.add.s32.msk $0xffff, v1  }
0x49: {  	v8 =	vshrl.u32 v9, $0x10;
	[tilespmem:v3+s11+$0x0] =	vst.idx.add.s32.msk $0xffff, v1  }
.Ltmp1:
0x4a: {  	v2 =	vshrl.u32 v11, $0x10;
	[tilespmem:v4+s11+$0x0] =	vst.idx.add.s32.msk $0xffff, v1;
	(pc) =	sbr.rel @p0 .LBB2_5-.Ltmp1, $4  }
0x4b: {  	[tilespmem:v5+s11+$0x0] =	vst.idx.add.s32.msk $0xffff, v1  }
0x4c: {  	[tilespmem:v6+s11+$0x0] =	vst.idx.add.s32.msk $0xffff, v1  }
0x4d: {  	[tilespmem:v7+s11+$0x0] =	vst.idx.add.s32.msk $0xffff, v1  }
0x4e: {  	[tilespmem:v8+s11+$0x0] =	vst.idx.add.s32.msk $0xffff, v1  }
0x4f: {  	_ = 	snop  }
0x50: {  	p0 =	seq.s32 s17, $0x12  }
0x51: {  	s18 =	sadd.s32 @!p0 s18, s6  }
0x52: {  	s18 =	sshrl.u32 @!p0 s18, $0x3  }
0x53: {  	[tilespmem:v2+s11+$0x0] =	vst.idx.add.s32.msk $0xffff, v1;
	s19 =	simm.s32 @!p0 $0x0;
	s18 =	sadd.s32 @!p0 s3, s18  }
0x54: {  	[tilespmem:s19], [sflag:$0x1] =	stream.linear.gather @!p0 [hbm4b:s18+s19], $0x2000, $0x38;
	[tilespmem:$0xD800] =	vst v63  }
0x55: {  	_ =	swait.ge [sflag:s12], $0x2000  }
0x56: {  	[sflag:s12] =	ssyncset.done $0x0  }
0x57: {  	s31 =	simm.s32 $0x0;
	[sflag:s12] =	ssyncadd.s32 $0xFFFFE000  }
0x58: {  	v2 =	vld [tilespmem:s31+$0x2000]  }
0x59: {  	v3 =	vld [tilespmem:s31+$0x2010]  }
0x5a: {  	v4 =	vld [tilespmem:s31+$0x2020]  }
0x5b: {  	v5 =	vld [tilespmem:s31+$0x2030]  }
0x5c: {  	v6 =	vld [tilespmem:s31+$0x2040]  }
0x5d: {  	v7 =	vld [tilespmem:s31+$0x2050];
	v8 =	vand.u32 $0xFFFF, v2  }
0x5e: {  	v9 =	vld [tilespmem:s31+$0x2060];
	v10 =	vand.u32 $0xFFFF, v3  }
0x5f: {  	v11 =	vld [tilespmem:s31+$0x2070];
	v12 =	vand.u32 $0xFFFF, v4  }
0x60: {  	v13 =	vand.u32 $0xFFFF, v5  }
0x61: {  	v14 =	vand.u32 $0xFFFF, v6  }
0x62: {  	v60 =	vand.u32 $0xFFFF, v7;
	[tilespmem:v8+s11+$0x0] =	vst.idx.add.s32.msk $0xffff, v1  }
0x63: {  	v61 =	vand.u32 $0xFFFF, v9;
	[tilespmem:v10+s11+$0x0] =	vst.idx.add.s32.msk $0xffff, v1  }
0x64: {  	v62 =	vand.u32 $0xFFFF, v11;
	[tilespmem:v12+s11+$0x0] =	vst.idx.add.s32.msk $0xffff, v1  }
0x65: {  	v2 =	vshrl.u32 v2, $0x10;
	[tilespmem:v13+s11+$0x0] =	vst.idx.add.s32.msk $0xffff, v1  }
0x66: {  	v3 =	vshrl.u32 v3, $0x10;
	[tilespmem:v14+s11+$0x0] =	vst.idx.add.s32.msk $0xffff, v1  }
0x67: {  	v4 =	vshrl.u32 v4, $0x10;
	[tilespmem:v60+s11+$0x0] =	vst.idx.add.s32.msk $0xffff, v1  }
0x68: {  	v5 =	vshrl.u32 v5, $0x10;
	[tilespmem:v61+s11+$0x0] =	vst.idx.add.s32.msk $0xffff, v1  }
0x69: {  	v6 =	vshrl.u32 v6, $0x10;
	[tilespmem:v62+s11+$0x0] =	vst.idx.add.s32.msk $0xffff, v1  }
0x6a: {  	v7 =	vshrl.u32 v7, $0x10;
	[tilespmem:v2+s11+$0x0] =	vst.idx.add.s32.msk $0xffff, v1  }
0x6b: {  	v63 =	vshrl.u32 v9, $0x10;
	[tilespmem:v3+s11+$0x0] =	vst.idx.add.s32.msk $0xffff, v1  }
0x6c: {  	v2 =	vshrl.u32 v11, $0x10;
	[tilespmem:v4+s11+$0x0] =	vst.idx.add.s32.msk $0xffff, v1  }
0x6d: {  	[tilespmem:v5+s11+$0x0] =	vst.idx.add.s32.msk $0xffff, v1  }
0x6e: {  	[tilespmem:v6+s11+$0x0] =	vst.idx.add.s32.msk $0xffff, v1  }
0x6f: {  	[tilespmem:v7+s11+$0x0] =	vst.idx.add.s32.msk $0xffff, v1  }
0x70: {  	s18 =	simm.s32 $0x200;
	[tilespmem:v63+s11+$0x0] =	vst.idx.add.s32.msk $0xffff, v1  }
.LBB2_7:
0x71: {  	s19 =	sshra.s32 s18, $0x2;
	p0 =	sne.s32 s18, $0x7E00;
	s18 =	sadd.s32 $0x200, s18;
	[tilespmem:v2+s11+$0x0] =	vst.idx.add.s32.msk $0xffff, v1  }
0x72: {  	v2 =	vld [tilespmem:s19+$0x2000]  }
0x73: {  	v3 =	vld [tilespmem:s19+$0x2010]  }
0x74: {  	v4 =	vld [tilespmem:s19+$0x2020]  }
0x75: {  	v5 =	vld [tilespmem:s19+$0x2030]  }
0x76: {  	v6 =	vld [tilespmem:s19+$0x2040]  }
0x77: {  	v7 =	vld [tilespmem:s19+$0x2050];
	v8 =	vand.u32 $0xFFFF, v2  }
0x78: {  	v9 =	vld [tilespmem:s19+$0x2060];
	v10 =	vand.u32 $0xFFFF, v3  }
0x79: {  	v11 =	vld [tilespmem:s19+$0x2070];
	v12 =	vand.u32 $0xFFFF, v4  }
0x7a: {  	v13 =	vand.u32 $0xFFFF, v5  }
0x7b: {  	v14 =	vand.u32 $0xFFFF, v6  }
0x7c: {  	[tilespmem:v8+s11+$0x0] =	vst.idx.add.s32.msk $0xffff, v1;
	v8 =	vand.u32 $0xFFFF, v7  }
0x7d: {  	[tilespmem:v10+s11+$0x0] =	vst.idx.add.s32.msk $0xffff, v1;
	v10 =	vand.u32 $0xFFFF, v9  }
0x7e: {  	[tilespmem:v12+s11+$0x0] =	vst.idx.add.s32.msk $0xffff, v1;
	v12 =	vand.u32 $0xFFFF, v11  }
0x7f: {  	v2 =	vshrl.u32 v2, $0x10;
	[tilespmem:v13+s11+$0x0] =	vst.idx.add.s32.msk $0xffff, v1  }
0x80: {  	v3 =	vshrl.u32 v3, $0x10;
	[tilespmem:v14+s11+$0x0] =	vst.idx.add.s32.msk $0xffff, v1  }
0x81: {  	v4 =	vshrl.u32 v4, $0x10;
	[tilespmem:v8+s11+$0x0] =	vst.idx.add.s32.msk $0xffff, v1  }
0x82: {  	v5 =	vshrl.u32 v5, $0x10;
	[tilespmem:v10+s11+$0x0] =	vst.idx.add.s32.msk $0xffff, v1  }
0x83: {  	v6 =	vshrl.u32 v6, $0x10;
	[tilespmem:v12+s11+$0x0] =	vst.idx.add.s32.msk $0xffff, v1  }
0x84: {  	v7 =	vshrl.u32 v7, $0x10;
	[tilespmem:v2+s11+$0x0] =	vst.idx.add.s32.msk $0xffff, v1  }
0x85: {  	v8 =	vshrl.u32 v9, $0x10;
	[tilespmem:v3+s11+$0x0] =	vst.idx.add.s32.msk $0xffff, v1  }
.Ltmp2:
0x86: {  	v2 =	vshrl.u32 v11, $0x10;
	[tilespmem:v4+s11+$0x0] =	vst.idx.add.s32.msk $0xffff, v1;
	(pc) =	sbr.rel @p0 .LBB2_7-.Ltmp2, $4  }
0x87: {  	[tilespmem:v5+s11+$0x0] =	vst.idx.add.s32.msk $0xffff, v1  }
0x88: {  	[tilespmem:v6+s11+$0x0] =	vst.idx.add.s32.msk $0xffff, v1  }
0x89: {  	[tilespmem:v7+s11+$0x0] =	vst.idx.add.s32.msk $0xffff, v1  }
0x8a: {  	[tilespmem:v8+s11+$0x0] =	vst.idx.add.s32.msk $0xffff, v1  }
0x8b: {  	s17 =	sadd.s32 $0x1, s17  }
0x8c: {  	p0 =	sne.s32 s17, $0x13  }
.Ltmp3:
0x8d: {  	_ = 	snop;
	(pc) =	sbr.rel @p0 .LBB2_4-.Ltmp3, $2  }
0x8e: {  	_ =	sdelay $0x2  }
0x8f: {  	[tilespmem:v2+s11+$0x0] =	vst.idx.add.s32.msk $0xffff, v1  }
0x90: {  	s2 =	sadd.s32 $0x1, s2  }
0x91: {  	p0 =	sne.s32 s2, s8  }
.Ltmp4:
0x92: {  	_ = 	snop;
	(pc) =	sbr.rel @p0 .LBB2_1-.Ltmp4, $4  }
0x93: {  	[hbm4b:s7+s13] =	stream.strided.scatter [tilespmem:s11], [sflag:$0x3], $0x9800, s14, s13, $0x38;
	[tilespmem:$0xD800] =	vst v63  }
0x94: {  	_ =	swait.ge [sflag:s15], $0x9800  }
0x95: {  	[sflag:s15] =	ssyncset.done $0x0  }
0x96: {  	[sflag:s15] =	ssyncadd.s32 $0xFFFF6800  }
0x97: {  	_ =	sfence.sel $0x180000  }
0x98: {  	[bflag:$0x0] =	sbarrier.arrive $0xFFFF  }
0x99: {  	p0 =	sne.s32 s1, $0x0;
	_ =	strace $0x90000047  }
0x9a: {  	s0 =	sadd.s32 @!p0 $0x100000, s0;
	[bflag:$0x2] =	sbarrier.arrive $0xFFFF  }
0x9b: {  	[sflag:s0] =	ssyncadd.tile.s32 @!p0 $0x1;
	_ =	shalt  }
.Lfunc_end2:
_tile_overlayer_lowered:
.L_overlay_start_2:
0x9c: {  	(tag) =	ssettag $0x2  }
0x9d: {  	s0 =	rddreg [dreg:$0x0];
	s2 =	stileid.u32  }
0x9e: {  	s1 =	rddreg [dreg:$0x1];
	p0 =	sne.s32 s2, $0x0  }
0x9f: {  	s3 =	rddreg [dreg:$0x2];
	[bflag:$0x3] =	sbarrier.arrive $0xFFFF;
	s2 =	simm.s32 @!p0 $0x1C03  }
0xa0: {  	[timem:s3], [sflag:s2] =	dma.local @!p0 [hbm:s0], s1  }
0xa1: {  	s0 =	simm.s32 @!p0 $0x3  }
0xa2: {  	_ =	swait.ge @!p0 [sflag:s0], s1  }
0xa3: {  	s1 =	ssub.s32 @!p0 $0x0, s1;
	[sflag:s0] =	ssyncset.done @!p0 $0x0  }
0xa4: {  	[sflag:s0] =	ssyncadd.s32 @!p0 s1  }
0xa5: {  	[bflag:$0x3] =	sbarrier.arrive $0xFFFF  }
0xa6: {  	_ =	shalt  }

</sc_bundles>
